<compile_context>
chip_gen: v7x
topology: tpu7x:2x2x1
jax: 0.10.2.dev20260603
libtpu: 0.0.44.dev20260713+nightly
codegen_flags: <defaults>
</compile_context>

<pallas_src>
import functools

import jax
import jax.numpy as jnp
from jax import lax
from jax.experimental import pallas as pl
from jax.experimental.pallas import tpu as pltpu
from jax.experimental.pallas import tpu_sc as plsc

N = 10000
E = 160000
D_IN = 1433
D_HID = 16
D_OUT = 7

NC, NS = 2, 16
NW = NC * NS
CHUNK = 1280
CPT = 4
E_PAD = NW * CPT * CHUNK
TRASH = N
ACC_ROWS = 10240
RPT = 624
REM = N - NS * RPT
REM_BASE = NS * RPT

_sc_mesh = plsc.VectorSubcoreMesh(core_axis_name="c", subcore_axis_name="s")


@functools.partial(
    pl.kernel,
    out_type=jax.ShapeDtypeStruct((NC, N, D_HID), jnp.float32),
    mesh=_sc_mesh,
    scratch_types=[
        pltpu.VMEM((CPT, CHUNK), jnp.int32),
        pltpu.VMEM((CPT, CHUNK), jnp.int32),
        pltpu.VMEM((CPT, CHUNK, D_HID), jnp.float32),
        pltpu.VMEM_SHARED((ACC_ROWS, D_HID), jnp.float32),
        pltpu.VMEM_SHARED((ACC_ROWS, D_HID), jnp.float32),
        pltpu.SemaphoreType.DMA,
    ],
    compiler_params=pltpu.CompilerParams(use_tc_tiling_on_sc=False),
)
def _sc_aggregate(p_hbm, sidx_hbm, didx_hbm, out_hbm, sidx_v, didx_v, rows_v, acc_sh, stage_sh, gsem):
    c = lax.axis_index("c")
    s = lax.axis_index("s")
    wid = c * NS + s

    pltpu.make_async_copy(sidx_hbm.at[wid], sidx_v, gsem).start()
    pltpu.make_async_copy(didx_hbm.at[wid], didx_v, gsem).start()
    sl = pl.ds(s * RPT, RPT)
    pltpu.make_async_copy(p_hbm.at[sl], stage_sh.at[sl], gsem).start()
    pltpu.make_async_copy(p_hbm.at[sl], acc_sh.at[sl], gsem).start()

    rl = pl.ds(REM_BASE, REM)

    @pl.when(s == 0)
    def _():
        pltpu.make_async_copy(p_hbm.at[rl], stage_sh.at[rl], gsem).start()
        pltpu.make_async_copy(p_hbm.at[rl], acc_sh.at[rl], gsem).start()

    pltpu.make_async_copy(sidx_hbm.at[wid], sidx_v, gsem).wait()
    pltpu.make_async_copy(didx_hbm.at[wid], didx_v, gsem).wait()
    pltpu.make_async_copy(p_hbm.at[sl], stage_sh.at[sl], gsem).wait()
    pltpu.make_async_copy(p_hbm.at[sl], acc_sh.at[sl], gsem).wait()

    @pl.when(s == 0)
    def _():
        pltpu.make_async_copy(p_hbm.at[rl], stage_sh.at[rl], gsem).wait()
        pltpu.make_async_copy(p_hbm.at[rl], acc_sh.at[rl], gsem).wait()
    plsc.subcore_barrier()

    def fire(j, carry):
        pltpu.make_async_copy(stage_sh.at[sidx_v.at[j]], rows_v.at[j], gsem).start()
        return carry
    lax.fori_loop(0, CPT, fire, 0)

    def drain(j, carry):
        pltpu.make_async_copy(stage_sh.at[sidx_v.at[j]], rows_v.at[j], gsem).wait()
        return carry
    lax.fori_loop(0, CPT, drain, 0)

    def scat(j, carry):
        pltpu.async_copy(rows_v.at[j], acc_sh.at[didx_v.at[j]], gsem, add=True)
        return carry
    lax.fori_loop(0, CPT, scat, 0)

    def sdrain(j, carry):
        pltpu.make_async_copy(rows_v.at[j], acc_sh.at[didx_v.at[j]], gsem).wait()
        return carry
    lax.fori_loop(0, CPT, sdrain, 0)
    plsc.subcore_barrier()

    pltpu.sync_copy(acc_sh.at[pl.ds(s * RPT, RPT)], out_hbm.at[c, pl.ds(s * RPT, RPT)])

    @pl.when(s == 0)
    def _():
        pltpu.sync_copy(acc_sh.at[pl.ds(REM_BASE, REM)], out_hbm.at[c, pl.ds(REM_BASE, REM)])


@functools.partial(
    pl.kernel,
    out_type=(
        jax.ShapeDtypeStruct((N, D_HID), jnp.float32),
        jax.ShapeDtypeStruct((NC, N, D_HID), jnp.float32),
    ),
    mesh=_sc_mesh,
    scratch_types=[
        pltpu.VMEM((CPT, CHUNK), jnp.int32),
        pltpu.VMEM((CPT, CHUNK), jnp.int32),
        pltpu.VMEM((2, CHUNK, D_HID), jnp.float32),
        pltpu.VMEM((RPT, D_HID), jnp.float32),
        pltpu.VMEM((RPT, D_HID), jnp.float32),
        pltpu.VMEM((RPT, D_HID), jnp.float32),
        pltpu.VMEM((REM, D_HID), jnp.float32),
        pltpu.VMEM((REM, D_HID), jnp.float32),
        pltpu.VMEM((REM, D_HID), jnp.float32),
        pltpu.VMEM((1, D_HID), jnp.float32),
        pltpu.VMEM_SHARED((ACC_ROWS, D_HID), jnp.float32),
        pltpu.VMEM_SHARED((ACC_ROWS, D_HID), jnp.float32),
        pltpu.SemaphoreType.DMA,
    ],
    compiler_params=pltpu.CompilerParams(use_tc_tiling_on_sc=False),
)
def _sc_combine_aggregate(parts_hbm, p_hbm, b_hbm, sidx_hbm, didx_hbm,
                          h_hbm, out_hbm,
                          sidx_v, didx_v, rows_v, hbuf, tbuf, pbuf,
                          hrem, trem, prem, bbuf, acc_sh, stage_sh, gsem):
    c = lax.axis_index("c")
    s = lax.axis_index("s")
    wid = c * NS + s

    pltpu.make_async_copy(sidx_hbm.at[wid], sidx_v, gsem).start()
    pltpu.make_async_copy(didx_hbm.at[wid], didx_v, gsem).start()
    pltpu.make_async_copy(b_hbm, bbuf, gsem).start()

    def fire_h_inputs(base, nrows, hb, tb, pb):
        pltpu.make_async_copy(parts_hbm.at[0, pl.ds(base, nrows)], hb, gsem).start()
        pltpu.make_async_copy(parts_hbm.at[1, pl.ds(base, nrows)], tb, gsem).start()
        pltpu.make_async_copy(p_hbm.at[pl.ds(base, nrows)], pb, gsem).start()

    def wait_h_inputs(base, nrows, hb, tb, pb):
        pltpu.make_async_copy(parts_hbm.at[0, pl.ds(base, nrows)], hb, gsem).wait()
        pltpu.make_async_copy(parts_hbm.at[1, pl.ds(base, nrows)], tb, gsem).wait()
        pltpu.make_async_copy(p_hbm.at[pl.ds(base, nrows)], pb, gsem).wait()

    def compute_h(base, nrows, hb, tb, pb):
        bvec = bbuf[0]

        def relu1(i, carry):
            hb[i] = jnp.maximum(hb[i] + tb[i] - pb[i] + bvec, 0.0)
            return carry
        lax.fori_loop(0, nrows, relu1, 0)
        pltpu.sync_copy(hb, stage_sh.at[pl.ds(base, nrows)])
        pltpu.sync_copy(hb, acc_sh.at[pl.ds(base, nrows)])

        @pl.when(c == 0)
        def _():
            pltpu.sync_copy(hb, h_hbm.at[pl.ds(base, nrows)])

    fire_h_inputs(s * RPT, RPT, hbuf, tbuf, pbuf)

    @pl.when(s == 0)
    def _():
        fire_h_inputs(REM_BASE, REM, hrem, trem, prem)

    pltpu.make_async_copy(sidx_hbm.at[wid], sidx_v, gsem).wait()
    pltpu.make_async_copy(didx_hbm.at[wid], didx_v, gsem).wait()
    pltpu.make_async_copy(b_hbm, bbuf, gsem).wait()
    wait_h_inputs(s * RPT, RPT, hbuf, tbuf, pbuf)
    compute_h(s * RPT, RPT, hbuf, tbuf, pbuf)

    @pl.when(s == 0)
    def _():
        wait_h_inputs(REM_BASE, REM, hrem, trem, prem)
        compute_h(REM_BASE, REM, hrem, trem, prem)
    plsc.subcore_barrier()

    def agg_pass(p, carry):
        for k in range(2):
            pltpu.make_async_copy(
                stage_sh.at[sidx_v.at[2 * p + k]], rows_v.at[k], gsem).start()
        for k in range(2):
            pltpu.make_async_copy(
                stage_sh.at[sidx_v.at[2 * p + k]], rows_v.at[k], gsem).wait()
        for k in range(2):
            pltpu.async_copy(
                rows_v.at[k], acc_sh.at[didx_v.at[2 * p + k]], gsem, add=True)
        for k in range(2):
            pltpu.make_async_copy(
                rows_v.at[k], acc_sh.at[didx_v.at[2 * p + k]], gsem).wait()
        return carry
    lax.fori_loop(0, CPT // 2, agg_pass, 0)
    plsc.subcore_barrier()

    pltpu.sync_copy(acc_sh.at[pl.ds(s * RPT, RPT)], out_hbm.at[c, pl.ds(s * RPT, RPT)])

    @pl.when(s == 0)
    def _():
        pltpu.sync_copy(acc_sh.at[pl.ds(REM_BASE, REM)], out_hbm.at[c, pl.ds(REM_BASE, REM)])


def _mm1_body(x_ref, w_ref, o_ref):
    o_ref[...] = jnp.dot(x_ref[...], w_ref[...],
                         preferred_element_type=jnp.float32)[:, :D_HID]


def _mm2_body(q_ref, h_ref, w_ref, b_ref, o_ref):
    agg = q_ref[0] + q_ref[1] - h_ref[...]
    o_ref[...] = jnp.dot(agg, w_ref[...], preferred_element_type=jnp.float32) + b_ref[...]


def kernel(features, edge_index, W1, b1, W2, b2):
    src = edge_index[0]
    dst = edge_index[1]
    pad = E_PAD - E
    src_p = jnp.concatenate([src, jnp.zeros((pad,), jnp.int32)]).reshape(NW, CPT, CHUNK)
    dst_p = jnp.concatenate([dst, jnp.full((pad,), TRASH, jnp.int32)]).reshape(NW, CPT, CHUNK)

    BM = 2000
    W1p = jnp.pad(W1, ((0, 0), (0, 128 - D_HID)))
    p1 = pl.pallas_call(
        _mm1_body,
        grid=(N // BM,),
        in_specs=[
            pl.BlockSpec((BM, D_IN), lambda i: (i, 0)),
            pl.BlockSpec((D_IN, 128), lambda i: (0, 0)),
        ],
        out_specs=pl.BlockSpec((BM, D_HID), lambda i: (i, 0)),
        out_shape=jax.ShapeDtypeStruct((N, D_HID), jnp.float32),
    )(features, W1p)

    parts1 = _sc_aggregate(p1, src_p, dst_p)

    BC = 2000
    h1, parts2 = _sc_combine_aggregate(parts1, p1, b1.reshape(1, D_HID), src_p, dst_p)

    W2p = jnp.pad(W2, ((0, 0), (0, 8 - D_OUT)))
    b2p = jnp.pad(b2, (0, 8 - D_OUT)).reshape(1, 8)
    out8 = pl.pallas_call(
        _mm2_body,
        grid=(N // BC,),
        in_specs=[
            pl.BlockSpec((NC, BC, D_HID), lambda i: (0, i, 0)),
            pl.BlockSpec((BC, D_HID), lambda i: (i, 0)),
            pl.BlockSpec((D_HID, 8), lambda i: (0, 0)),
            pl.BlockSpec((1, 8), lambda i: (0, 0)),
        ],
        out_specs=pl.BlockSpec((BC, 8), lambda i: (i, 0)),
        out_shape=jax.ShapeDtypeStruct((N, 8), jnp.float32),
    )(parts2, h1, W2p, b2p)

    return out8[:, :D_OUT]

# --- scband reference (transcript-rebuilt; emitter-appended) ---
"""Pipeline reference for scband-net-1151051235746 (READ-ONLY COPY).

The authoritative reference and input builder live on the scoring server;
editing this copy changes nothing except your own understanding.
"""

import jax, jax.numpy as jnp
import numpy as np

N_NODES = 10000
N_EDGES = 160000
D_IN = 1433
D_HID = 16
D_OUT = 7


def setup_inputs(seed: int = 0) -> dict:
    key = jax.random.key(seed)
    k1, k2, k3, k4, k5, k6 = jax.random.split(key, 6)
    features = jax.random.normal(k1, (N_NODES, D_IN), dtype=jnp.float32)
    edge_index = jax.random.randint(k2, (2, N_EDGES), 0, N_NODES, dtype=jnp.int32)
    W1 = jax.random.normal(k3, (D_IN, D_HID), dtype=jnp.float32) * (1.0 / np.sqrt(D_IN))
    b1 = jax.random.normal(k4, (D_HID,), dtype=jnp.float32) * 0.01
    W2 = jax.random.normal(k5, (D_HID, D_OUT), dtype=jnp.float32) * (1.0 / np.sqrt(D_HID))
    b2 = jax.random.normal(k6, (D_OUT,), dtype=jnp.float32) * 0.01
    return {"features": features, "edge_index": edge_index, "W1": W1, "b1": b1, "W2": W2, "b2": b2}


def reference(features, edge_index, W1, b1, W2, b2):
    # DGL semantics: gcn_msg = copy_src('h'), gcn_reduce = sum(mailbox) + own h
    src = edge_index[0]
    dst = edge_index[1]

    def gcn_layer(h, W, b):
        msg = jnp.take(h, src, axis=0)                       # gather per-edge source features
        agg = jax.ops.segment_sum(msg, dst, num_segments=N_NODES)  # scatter-add to dst nodes
        agg = agg + h                                        # + nodes.data['h'] (self term)
        return agg @ W + b                                   # nn.Linear

    x = jax.nn.relu(gcn_layer(features, W1, b1))
    # F.dropout is identity in eval mode (training=False)
    x = gcn_layer(x, W2, b2)
    return x

if __name__ == "__main__":
    import jax
    _d = setup_inputs()
    print(jax.jit(kernel)(*tuple(_d.values())))

</pallas_src>

<mosaic_0001>
#map = affine_map<(d0, d1) -> (0, 0)>
#map1 = affine_map<(d0, d1) -> (0, 0, 0)>
module attributes {stable_mosaic.version = 14 : i64} {
  func.func @_sc_aggregate(%arg0: i32, %arg1: i32, %arg2: memref<10000x16xf32, #tpu.memory_space<hbm>>, %arg3: memref<32x4x1280xi32, #tpu.memory_space<hbm>>, %arg4: memref<32x4x1280xi32, #tpu.memory_space<hbm>>, %arg5: memref<2x10000x16xf32, #tpu.memory_space<hbm>>, %arg6: memref<4x1280xi32, #tpu.memory_space<vmem>>, %arg7: memref<4x1280xi32, #tpu.memory_space<vmem>>, %arg8: memref<4x1280x16xf32, #tpu.memory_space<vmem>>, %arg9: memref<10240x16xf32, #tpu.memory_space<vmem_shared>>, %arg10: memref<10240x16xf32, #tpu.memory_space<vmem_shared>>, %arg11: memref<!tpu.dma_semaphore, #tpu.memory_space<semaphore_mem>>) attributes {dimension_semantics = [#tpu.dimension_semantics<core_parallel>, #tpu.dimension_semantics<subcore_parallel>], iteration_bounds = array<i64: 2, 16>, scalar_prefetch = 0 : i64, scratch_operands = 6 : i64, tpu.core_type = #tpu.core_type<sc_vector_subcore>, window_params = [{transform_indices = #map}, {transform_indices = #map1}, {transform_indices = #map1}, {transform_indices = #map1}]} {
    %mul3A = arith.constant 16 : i32
    %mul3A_0 = arith.muli %arg0, %mul3A : i32
    %add3A = arith.addi %mul3A_0, %arg1 : i32
    %dma_start3A = arith.constant 0 : i32
    %dma_start3A_1 = arith.constant 0 : i32
    %dma_start3A_2 = tpu.memref_slice %arg3[%add3A, %dma_start3A, %dma_start3A_1] : memref<32x4x1280xi32, #tpu.memory_space<hbm>> -> memref<1x4x1280xi32, #tpu.memory_space<hbm>>
    %dma_start3A_3 = tpu.memref_squeeze %dma_start3A_2 : memref<1x4x1280xi32, #tpu.memory_space<hbm>> -> memref<4x1280xi32, #tpu.memory_space<hbm>>
    %dma_start3A_4 = arith.constant 0 : i32
    %dma_start3A_5 = arith.constant 0 : i32
    %dma_start3A_6 = tpu.memref_slice %arg3[%add3A, %dma_start3A_4, %dma_start3A_5] : memref<32x4x1280xi32, #tpu.memory_space<hbm>> -> memref<1x4x1280xi32, #tpu.memory_space<hbm>>
    %dma_start3A_7 = tpu.memref_squeeze %dma_start3A_6 : memref<1x4x1280xi32, #tpu.memory_space<hbm>> -> memref<4x1280xi32, #tpu.memory_space<hbm>>
    tpu.enqueue_dma source(%dma_start3A_7 : memref<4x1280xi32, #tpu.memory_space<hbm>>) target(%arg6 : memref<4x1280xi32, #tpu.memory_space<vmem>>) target_semaphore(%arg11 : memref<!tpu.dma_semaphore, #tpu.memory_space<semaphore_mem>>)
    %dma_start3A_8 = arith.constant 0 : i32
    %dma_start3A_9 = arith.constant 0 : i32
    %dma_start3A_10 = tpu.memref_slice %arg4[%add3A, %dma_start3A_8, %dma_start3A_9] : memref<32x4x1280xi32, #tpu.memory_space<hbm>> -> memref<1x4x1280xi32, #tpu.memory_space<hbm>>
    %dma_start3A_11 = tpu.memref_squeeze %dma_start3A_10 : memref<1x4x1280xi32, #tpu.memory_space<hbm>> -> memref<4x1280xi32, #tpu.memory_space<hbm>>
    %dma_start3A_12 = arith.constant 0 : i32
    %dma_start3A_13 = arith.constant 0 : i32
    %dma_start3A_14 = tpu.memref_slice %arg4[%add3A, %dma_start3A_12, %dma_start3A_13] : memref<32x4x1280xi32, #tpu.memory_space<hbm>> -> memref<1x4x1280xi32, #tpu.memory_space<hbm>>
    %dma_start3A_15 = tpu.memref_squeeze %dma_start3A_14 : memref<1x4x1280xi32, #tpu.memory_space<hbm>> -> memref<4x1280xi32, #tpu.memory_space<hbm>>
    tpu.enqueue_dma source(%dma_start3A_15 : memref<4x1280xi32, #tpu.memory_space<hbm>>) target(%arg7 : memref<4x1280xi32, #tpu.memory_space<vmem>>) target_semaphore(%arg11 : memref<!tpu.dma_semaphore, #tpu.memory_space<semaphore_mem>>)
    %mul3A_16 = arith.constant 624 : i32
    %mul3A_17 = arith.muli %arg1, %mul3A_16 : i32
    %dma_start3A_18 = arith.constant 0 : i32
    %dma_start3A_19 = tpu.memref_slice %arg10[%mul3A_17, %dma_start3A_18] : memref<10240x16xf32, #tpu.memory_space<vmem_shared>> -> memref<624x16xf32, #tpu.memory_space<vmem_shared>>
    %dma_start3A_20 = arith.constant 0 : i32
    %dma_start3A_21 = tpu.memref_slice %arg2[%mul3A_17, %dma_start3A_20] : memref<10000x16xf32, #tpu.memory_space<hbm>> -> memref<624x16xf32, #tpu.memory_space<hbm>>
    tpu.enqueue_dma source(%dma_start3A_21 : memref<624x16xf32, #tpu.memory_space<hbm>>) target(%dma_start3A_19 : memref<624x16xf32, #tpu.memory_space<vmem_shared>>) target_semaphore(%arg11 : memref<!tpu.dma_semaphore, #tpu.memory_space<semaphore_mem>>)
    %dma_start3A_22 = arith.constant 0 : i32
    %dma_start3A_23 = tpu.memref_slice %arg9[%mul3A_17, %dma_start3A_22] : memref<10240x16xf32, #tpu.memory_space<vmem_shared>> -> memref<624x16xf32, #tpu.memory_space<vmem_shared>>
    %dma_start3A_24 = arith.constant 0 : i32
    %dma_start3A_25 = tpu.memref_slice %arg2[%mul3A_17, %dma_start3A_24] : memref<10000x16xf32, #tpu.memory_space<hbm>> -> memref<624x16xf32, #tpu.memory_space<hbm>>
    tpu.enqueue_dma source(%dma_start3A_25 : memref<624x16xf32, #tpu.memory_space<hbm>>) target(%dma_start3A_23 : memref<624x16xf32, #tpu.memory_space<vmem_shared>>) target_semaphore(%arg11 : memref<!tpu.dma_semaphore, #tpu.memory_space<semaphore_mem>>)
    %eq3A = arith.constant 0 : i32
    %eq3A_26 = arith.cmpi eq, %arg1, %eq3A : i32
    %convert_element_type3A = arith.extui %eq3A_26 : i1 to i32
    %cond3A = arith.constant 0 : i32
    %cond3A_27 = arith.cmpi ne, %convert_element_type3A, %cond3A : i32
    scf.if %cond3A_27 {
      %dma_start3A_89 = arith.constant 9984 : i32
      %dma_start3A_90 = arith.constant 0 : i32
      %dma_start3A_91 = tpu.memref_slice %arg10[%dma_start3A_89, %dma_start3A_90] : memref<10240x16xf32, #tpu.memory_space<vmem_shared>> -> memref<16x16xf32, #tpu.memory_space<vmem_shared>>
      %dma_start3A_92 = arith.constant 9984 : i32
      %dma_start3A_93 = arith.constant 0 : i32
      %dma_start3A_94 = tpu.memref_slice %arg2[%dma_start3A_92, %dma_start3A_93] : memref<10000x16xf32, #tpu.memory_space<hbm>> -> memref<16x16xf32, #tpu.memory_space<hbm>>
      tpu.enqueue_dma source(%dma_start3A_94 : memref<16x16xf32, #tpu.memory_space<hbm>>) target(%dma_start3A_91 : memref<16x16xf32, #tpu.memory_space<vmem_shared>>) target_semaphore(%arg11 : memref<!tpu.dma_semaphore, #tpu.memory_space<semaphore_mem>>)
      %dma_start3A_95 = arith.constant 9984 : i32
      %dma_start3A_96 = arith.constant 0 : i32
      %dma_start3A_97 = tpu.memref_slice %arg9[%dma_start3A_95, %dma_start3A_96] : memref<10240x16xf32, #tpu.memory_space<vmem_shared>> -> memref<16x16xf32, #tpu.memory_space<vmem_shared>>
      %dma_start3A_98 = arith.constant 9984 : i32
      %dma_start3A_99 = arith.constant 0 : i32
      %dma_start3A_100 = tpu.memref_slice %arg2[%dma_start3A_98, %dma_start3A_99] : memref<10000x16xf32, #tpu.memory_space<hbm>> -> memref<16x16xf32, #tpu.memory_space<hbm>>
      tpu.enqueue_dma source(%dma_start3A_100 : memref<16x16xf32, #tpu.memory_space<hbm>>) target(%dma_start3A_97 : memref<16x16xf32, #tpu.memory_space<vmem_shared>>) target_semaphore(%arg11 : memref<!tpu.dma_semaphore, #tpu.memory_space<semaphore_mem>>)
    } else {
    }
    %dma_wait3A = arith.constant 0 : i32
    %dma_wait3A_28 = arith.constant 0 : i32
    %dma_wait3A_29 = tpu.memref_slice %arg3[%add3A, %dma_wait3A, %dma_wait3A_28] : memref<32x4x1280xi32, #tpu.memory_space<hbm>> -> memref<1x4x1280xi32, #tpu.memory_space<hbm>>
    %dma_wait3A_30 = tpu.memref_squeeze %dma_wait3A_29 : memref<1x4x1280xi32, #tpu.memory_space<hbm>> -> memref<4x1280xi32, #tpu.memory_space<hbm>>
    %dma_wait3A_31 = arith.constant 0 : i32
    %dma_wait3A_32 = arith.constant 0 : i32
    %dma_wait3A_33 = tpu.memref_slice %arg3[%add3A, %dma_wait3A_31, %dma_wait3A_32] : memref<32x4x1280xi32, #tpu.memory_space<hbm>> -> memref<1x4x1280xi32, #tpu.memory_space<hbm>>
    %dma_wait3A_34 = tpu.memref_squeeze %dma_wait3A_33 : memref<1x4x1280xi32, #tpu.memory_space<hbm>> -> memref<4x1280xi32, #tpu.memory_space<hbm>>
    tpu.wait_dma2 semaphore(%arg11 : memref<!tpu.dma_semaphore, #tpu.memory_space<semaphore_mem>>) src(%dma_wait3A_34 : memref<4x1280xi32, #tpu.memory_space<hbm>>) dst(%arg6 : memref<4x1280xi32, #tpu.memory_space<vmem>>)
    %dma_wait3A_35 = arith.constant 0 : i32
    %dma_wait3A_36 = arith.constant 0 : i32
    %dma_wait3A_37 = tpu.memref_slice %arg4[%add3A, %dma_wait3A_35, %dma_wait3A_36] : memref<32x4x1280xi32, #tpu.memory_space<hbm>> -> memref<1x4x1280xi32, #tpu.memory_space<hbm>>
    %dma_wait3A_38 = tpu.memref_squeeze %dma_wait3A_37 : memref<1x4x1280xi32, #tpu.memory_space<hbm>> -> memref<4x1280xi32, #tpu.memory_space<hbm>>
    %dma_wait3A_39 = arith.constant 0 : i32
    %dma_wait3A_40 = arith.constant 0 : i32
    %dma_wait3A_41 = tpu.memref_slice %arg4[%add3A, %dma_wait3A_39, %dma_wait3A_40] : memref<32x4x1280xi32, #tpu.memory_space<hbm>> -> memref<1x4x1280xi32, #tpu.memory_space<hbm>>
    %dma_wait3A_42 = tpu.memref_squeeze %dma_wait3A_41 : memref<1x4x1280xi32, #tpu.memory_space<hbm>> -> memref<4x1280xi32, #tpu.memory_space<hbm>>
    tpu.wait_dma2 semaphore(%arg11 : memref<!tpu.dma_semaphore, #tpu.memory_space<semaphore_mem>>) src(%dma_wait3A_42 : memref<4x1280xi32, #tpu.memory_space<hbm>>) dst(%arg7 : memref<4x1280xi32, #tpu.memory_space<vmem>>)
    %dma_wait3A_43 = arith.constant 0 : i32
    %dma_wait3A_44 = tpu.memref_slice %arg10[%mul3A_17, %dma_wait3A_43] : memref<10240x16xf32, #tpu.memory_space<vmem_shared>> -> memref<624x16xf32, #tpu.memory_space<vmem_shared>>
    %dma_wait3A_45 = arith.constant 0 : i32
    %dma_wait3A_46 = tpu.memref_slice %arg2[%mul3A_17, %dma_wait3A_45] : memref<10000x16xf32, #tpu.memory_space<hbm>> -> memref<624x16xf32, #tpu.memory_space<hbm>>
    tpu.wait_dma2 semaphore(%arg11 : memref<!tpu.dma_semaphore, #tpu.memory_space<semaphore_mem>>) src(%dma_wait3A_46 : memref<624x16xf32, #tpu.memory_space<hbm>>) dst(%dma_wait3A_44 : memref<624x16xf32, #tpu.memory_space<vmem_shared>>)
    %dma_wait3A_47 = arith.constant 0 : i32
    %dma_wait3A_48 = tpu.memref_slice %arg9[%mul3A_17, %dma_wait3A_47] : memref<10240x16xf32, #tpu.memory_space<vmem_shared>> -> memref<624x16xf32, #tpu.memory_space<vmem_shared>>
    %dma_wait3A_49 = arith.constant 0 : i32
    %dma_wait3A_50 = tpu.memref_slice %arg2[%mul3A_17, %dma_wait3A_49] : memref<10000x16xf32, #tpu.memory_space<hbm>> -> memref<624x16xf32, #tpu.memory_space<hbm>>
    tpu.wait_dma2 semaphore(%arg11 : memref<!tpu.dma_semaphore, #tpu.memory_space<semaphore_mem>>) src(%dma_wait3A_50 : memref<624x16xf32, #tpu.memory_space<hbm>>) dst(%dma_wait3A_48 : memref<624x16xf32, #tpu.memory_space<vmem_shared>>)
    %eq3A_51 = arith.constant 0 : i32
    %eq3A_52 = arith.cmpi eq, %arg1, %eq3A_51 : i32
    %convert_element_type3A_53 = arith.extui %eq3A_52 : i1 to i32
    %cond3A_54 = arith.constant 0 : i32
    %cond3A_55 = arith.cmpi ne, %convert_element_type3A_53, %cond3A_54 : i32
    scf.if %cond3A_55 {
      %dma_wait3A_89 = arith.constant 9984 : i32
      %dma_wait3A_90 = arith.constant 0 : i32
      %dma_wait3A_91 = tpu.memref_slice %arg10[%dma_wait3A_89, %dma_wait3A_90] : memref<10240x16xf32, #tpu.memory_space<vmem_shared>> -> memref<16x16xf32, #tpu.memory_space<vmem_shared>>
      %dma_wait3A_92 = arith.constant 9984 : i32
      %dma_wait3A_93 = arith.constant 0 : i32
      %dma_wait3A_94 = tpu.memref_slice %arg2[%dma_wait3A_92, %dma_wait3A_93] : memref<10000x16xf32, #tpu.memory_space<hbm>> -> memref<16x16xf32, #tpu.memory_space<hbm>>
      tpu.wait_dma2 semaphore(%arg11 : memref<!tpu.dma_semaphore, #tpu.memory_space<semaphore_mem>>) src(%dma_wait3A_94 : memref<16x16xf32, #tpu.memory_space<hbm>>) dst(%dma_wait3A_91 : memref<16x16xf32, #tpu.memory_space<vmem_shared>>)
      %dma_wait3A_95 = arith.constant 9984 : i32
      %dma_wait3A_96 = arith.constant 0 : i32
      %dma_wait3A_97 = tpu.memref_slice %arg9[%dma_wait3A_95, %dma_wait3A_96] : memref<10240x16xf32, #tpu.memory_space<vmem_shared>> -> memref<16x16xf32, #tpu.memory_space<vmem_shared>>
      %dma_wait3A_98 = arith.constant 9984 : i32
      %dma_wait3A_99 = arith.constant 0 : i32
      %dma_wait3A_100 = tpu.memref_slice %arg2[%dma_wait3A_98, %dma_wait3A_99] : memref<10000x16xf32, #tpu.memory_space<hbm>> -> memref<16x16xf32, #tpu.memory_space<hbm>>
      tpu.wait_dma2 semaphore(%arg11 : memref<!tpu.dma_semaphore, #tpu.memory_space<semaphore_mem>>) src(%dma_wait3A_100 : memref<16x16xf32, #tpu.memory_space<hbm>>) dst(%dma_wait3A_97 : memref<16x16xf32, #tpu.memory_space<vmem_shared>>)
    } else {
    }
    %barrier3A = arith.constant 0 : index
    tpu.barrier barrier_id(%barrier3A)
    %scan3A = arith.constant 0 : i32
    %scan3A_56 = arith.constant 0 : i32
    %scan3A_57 = arith.constant 4 : i32
    %scan3A_58 = arith.addi %scan3A_56, %scan3A_57 : i32
    %scan3A_59 = arith.constant 1 : i32
    scf.for %scan3A_89 = %scan3A_56 to %scan3A_58 step %scan3A_59  : i32 {
      %dma_start3A_90 = arith.constant 0 : i32
      %dma_start3A_91 = arith.constant 0 : i32
      %dma_start3A_92 = tpu.memref_slice %arg8[%scan3A_89, %dma_start3A_90, %dma_start3A_91] : memref<4x1280x16xf32, #tpu.memory_space<vmem>> -> memref<1x1280x16xf32, #tpu.memory_space<vmem>>
      %dma_start3A_93 = tpu.memref_squeeze %dma_start3A_92 : memref<1x1280x16xf32, #tpu.memory_space<vmem>> -> memref<1280x16xf32, #tpu.memory_space<vmem>>
      %dma_start3A_94 = arith.constant 0 : i32
      %dma_start3A_95 = tpu.memref_slice %arg6[%scan3A_89, %dma_start3A_94] : memref<4x1280xi32, #tpu.memory_space<vmem>> -> memref<1x1280xi32, #tpu.memory_space<vmem>>
      %dma_start3A_96 = tpu.memref_squeeze %dma_start3A_95 : memref<1x1280xi32, #tpu.memory_space<vmem>> -> memref<1280xi32, #tpu.memory_space<vmem>>
      %dma_start3A_97 = arith.constant 0 : i32
      %dma_start3A_98 = arith.constant 0 : i32
      %dma_start3A_99 = tpu.memref_slice %arg10[%dma_start3A_97, %dma_start3A_98] : memref<10240x16xf32, #tpu.memory_space<vmem_shared>> -> memref<10240x16xf32, #tpu.memory_space<vmem_shared>>
      tpu.enqueue_indirect_dma source(%dma_start3A_99 : memref<10240x16xf32, #tpu.memory_space<vmem_shared>>) target(%dma_start3A_93 : memref<1280x16xf32, #tpu.memory_space<vmem>>) offsets(%dma_start3A_96 : memref<1280xi32, #tpu.memory_space<vmem>>) semaphore(%arg11 : memref<!tpu.dma_semaphore, #tpu.memory_space<semaphore_mem>>)
    }
    %scan3A_60 = arith.constant 4 : i32
    %scan3A_61 = arith.constant 0 : i32
    %scan3A_62 = arith.constant 0 : i32
    %scan3A_63 = arith.constant 4 : i32
    %scan3A_64 = arith.addi %scan3A_62, %scan3A_63 : i32
    %scan3A_65 = arith.constant 1 : i32
    scf.for %scan3A_89 = %scan3A_62 to %scan3A_64 step %scan3A_65  : i32 {
      %dma_wait3A_90 = arith.constant 0 : i32
      %dma_wait3A_91 = arith.constant 0 : i32
      %dma_wait3A_92 = tpu.memref_slice %arg8[%scan3A_89, %dma_wait3A_90, %dma_wait3A_91] : memref<4x1280x16xf32, #tpu.memory_space<vmem>> -> memref<1x1280x16xf32, #tpu.memory_space<vmem>>
      %dma_wait3A_93 = tpu.memref_squeeze %dma_wait3A_92 : memref<1x1280x16xf32, #tpu.memory_space<vmem>> -> memref<1280x16xf32, #tpu.memory_space<vmem>>
      %dma_wait3A_94 = arith.constant 0 : i32
      %dma_wait3A_95 = tpu.memref_slice %arg6[%scan3A_89, %dma_wait3A_94] : memref<4x1280xi32, #tpu.memory_space<vmem>> -> memref<1x1280xi32, #tpu.memory_space<vmem>>
      %dma_wait3A_96 = tpu.memref_squeeze %dma_wait3A_95 : memref<1x1280xi32, #tpu.memory_space<vmem>> -> memref<1280xi32, #tpu.memory_space<vmem>>
      %dma_wait3A_97 = arith.constant 0 : i32
      %dma_wait3A_98 = arith.constant 0 : i32
      %dma_wait3A_99 = tpu.memref_slice %arg10[%dma_wait3A_97, %dma_wait3A_98] : memref<10240x16xf32, #tpu.memory_space<vmem_shared>> -> memref<10240x16xf32, #tpu.memory_space<vmem_shared>>
      tpu.wait_indirect_dma semaphore(%arg11 : memref<!tpu.dma_semaphore, #tpu.memory_space<semaphore_mem>>) src(%dma_wait3A_99 : memref<10240x16xf32, #tpu.memory_space<vmem_shared>>) dst(%dma_wait3A_93 : memref<1280x16xf32, #tpu.memory_space<vmem>>)
    }
    %scan3A_66 = arith.constant 4 : i32
    %scan3A_67 = arith.constant 0 : i32
    %scan3A_68 = arith.constant 0 : i32
    %scan3A_69 = arith.constant 4 : i32
    %scan3A_70 = arith.addi %scan3A_68, %scan3A_69 : i32
    %scan3A_71 = arith.constant 1 : i32
    scf.for %scan3A_89 = %scan3A_68 to %scan3A_70 step %scan3A_71  : i32 {
      %dma_start3A_90 = arith.constant 0 : i32
      %dma_start3A_91 = arith.constant 0 : i32
      %dma_start3A_92 = tpu.memref_slice %arg8[%scan3A_89, %dma_start3A_90, %dma_start3A_91] : memref<4x1280x16xf32, #tpu.memory_space<vmem>> -> memref<1x1280x16xf32, #tpu.memory_space<vmem>>
      %dma_start3A_93 = tpu.memref_squeeze %dma_start3A_92 : memref<1x1280x16xf32, #tpu.memory_space<vmem>> -> memref<1280x16xf32, #tpu.memory_space<vmem>>
      %dma_start3A_94 = arith.constant 0 : i32
      %dma_start3A_95 = tpu.memref_slice %arg7[%scan3A_89, %dma_start3A_94] : memref<4x1280xi32, #tpu.memory_space<vmem>> -> memref<1x1280xi32, #tpu.memory_space<vmem>>
      %dma_start3A_96 = tpu.memref_squeeze %dma_start3A_95 : memref<1x1280xi32, #tpu.memory_space<vmem>> -> memref<1280xi32, #tpu.memory_space<vmem>>
      %dma_start3A_97 = arith.constant 0 : i32
      %dma_start3A_98 = arith.constant 0 : i32
      %dma_start3A_99 = tpu.memref_slice %arg9[%dma_start3A_97, %dma_start3A_98] : memref<10240x16xf32, #tpu.memory_space<vmem_shared>> -> memref<10240x16xf32, #tpu.memory_space<vmem_shared>>
      tpu.enqueue_indirect_dma source(%dma_start3A_93 : memref<1280x16xf32, #tpu.memory_space<vmem>>) target(%dma_start3A_99 : memref<10240x16xf32, #tpu.memory_space<vmem_shared>>) offsets(%dma_start3A_96 : memref<1280xi32, #tpu.memory_space<vmem>>) semaphore(%arg11 : memref<!tpu.dma_semaphore, #tpu.memory_space<semaphore_mem>>) {add = true}
    }
    %scan3A_72 = arith.constant 4 : i32
    %scan3A_73 = arith.constant 0 : i32
    %scan3A_74 = arith.constant 0 : i32
    %scan3A_75 = arith.constant 4 : i32
    %scan3A_76 = arith.addi %scan3A_74, %scan3A_75 : i32
    %scan3A_77 = arith.constant 1 : i32
    scf.for %scan3A_89 = %scan3A_74 to %scan3A_76 step %scan3A_77  : i32 {
      %dma_wait3A_90 = arith.constant 0 : i32
      %dma_wait3A_91 = arith.constant 0 : i32
      %dma_wait3A_92 = tpu.memref_slice %arg8[%scan3A_89, %dma_wait3A_90, %dma_wait3A_91] : memref<4x1280x16xf32, #tpu.memory_space<vmem>> -> memref<1x1280x16xf32, #tpu.memory_space<vmem>>
      %dma_wait3A_93 = tpu.memref_squeeze %dma_wait3A_92 : memref<1x1280x16xf32, #tpu.memory_space<vmem>> -> memref<1280x16xf32, #tpu.memory_space<vmem>>
      %dma_wait3A_94 = arith.constant 0 : i32
      %dma_wait3A_95 = tpu.memref_slice %arg7[%scan3A_89, %dma_wait3A_94] : memref<4x1280xi32, #tpu.memory_space<vmem>> -> memref<1x1280xi32, #tpu.memory_space<vmem>>
      %dma_wait3A_96 = tpu.memref_squeeze %dma_wait3A_95 : memref<1x1280xi32, #tpu.memory_space<vmem>> -> memref<1280xi32, #tpu.memory_space<vmem>>
      %dma_wait3A_97 = arith.constant 0 : i32
      %dma_wait3A_98 = arith.constant 0 : i32
      %dma_wait3A_99 = tpu.memref_slice %arg9[%dma_wait3A_97, %dma_wait3A_98] : memref<10240x16xf32, #tpu.memory_space<vmem_shared>> -> memref<10240x16xf32, #tpu.memory_space<vmem_shared>>
      tpu.wait_indirect_dma semaphore(%arg11 : memref<!tpu.dma_semaphore, #tpu.memory_space<semaphore_mem>>) src(%dma_wait3A_93 : memref<1280x16xf32, #tpu.memory_space<vmem>>) dst(%dma_wait3A_99 : memref<10240x16xf32, #tpu.memory_space<vmem_shared>>)
    }
    %scan3A_78 = arith.constant 4 : i32
    %barrier3A_79 = arith.constant 0 : index
    tpu.barrier barrier_id(%barrier3A_79)
    %mul3A_80 = arith.constant 624 : i32
    %mul3A_81 = arith.muli %arg1, %mul3A_80 : i32
    %mul3A_82 = arith.constant 624 : i32
    %mul3A_83 = arith.muli %arg1, %mul3A_82 : i32
    "tpu.region"() ({
      %run_scoped3A = tpu.sem_alloc : memref<!tpu.dma_semaphore, #tpu.memory_space<semaphore_mem>>
      %dma_start3A_89 = arith.constant 0 : i32
      %dma_start3A_90 = tpu.memref_slice %arg5[%arg0, %mul3A_83, %dma_start3A_89] : memref<2x10000x16xf32, #tpu.memory_space<hbm>> -> memref<1x624x16xf32, #tpu.memory_space<hbm>>
      %dma_start3A_91 = tpu.memref_squeeze %dma_start3A_90 : memref<1x624x16xf32, #tpu.memory_space<hbm>> -> memref<624x16xf32, #tpu.memory_space<hbm>>
      %dma_start3A_92 = arith.constant 0 : i32
      %dma_start3A_93 = tpu.memref_slice %arg9[%mul3A_81, %dma_start3A_92] : memref<10240x16xf32, #tpu.memory_space<vmem_shared>> -> memref<624x16xf32, #tpu.memory_space<vmem_shared>>
      tpu.enqueue_dma source(%dma_start3A_93 : memref<624x16xf32, #tpu.memory_space<vmem_shared>>) target(%dma_start3A_91 : memref<624x16xf32, #tpu.memory_space<hbm>>) target_semaphore(%run_scoped3A : memref<!tpu.dma_semaphore, #tpu.memory_space<semaphore_mem>>)
      %dma_wait3A_94 = arith.constant 0 : i32
      %dma_wait3A_95 = tpu.memref_slice %arg5[%arg0, %mul3A_83, %dma_wait3A_94] : memref<2x10000x16xf32, #tpu.memory_space<hbm>> -> memref<1x624x16xf32, #tpu.memory_space<hbm>>
      %dma_wait3A_96 = tpu.memref_squeeze %dma_wait3A_95 : memref<1x624x16xf32, #tpu.memory_space<hbm>> -> memref<624x16xf32, #tpu.memory_space<hbm>>
      %dma_wait3A_97 = arith.constant 0 : i32
      %dma_wait3A_98 = tpu.memref_slice %arg9[%mul3A_81, %dma_wait3A_97] : memref<10240x16xf32, #tpu.memory_space<vmem_shared>> -> memref<624x16xf32, #tpu.memory_space<vmem_shared>>
      tpu.wait_dma2 semaphore(%run_scoped3A : memref<!tpu.dma_semaphore, #tpu.memory_space<semaphore_mem>>) src(%dma_wait3A_98 : memref<624x16xf32, #tpu.memory_space<vmem_shared>>) dst(%dma_wait3A_96 : memref<624x16xf32, #tpu.memory_space<hbm>>)
      tpu.yield
    }) : () -> ()
    %eq3A_84 = arith.constant 0 : i32
    %eq3A_85 = arith.cmpi eq, %arg1, %eq3A_84 : i32
    %convert_element_type3A_86 = arith.extui %eq3A_85 : i1 to i32
    %cond3A_87 = arith.constant 0 : i32
    %cond3A_88 = arith.cmpi ne, %convert_element_type3A_86, %cond3A_87 : i32
    scf.if %cond3A_88 {
      "tpu.region"() ({
        %run_scoped3A = tpu.sem_alloc : memref<!tpu.dma_semaphore, #tpu.memory_space<semaphore_mem>>
        %dma_start3A_89 = arith.constant 9984 : i32
        %dma_start3A_90 = arith.constant 0 : i32
        %dma_start3A_91 = tpu.memref_slice %arg5[%arg0, %dma_start3A_89, %dma_start3A_90] : memref<2x10000x16xf32, #tpu.memory_space<hbm>> -> memref<1x16x16xf32, #tpu.memory_space<hbm>>
        %dma_start3A_92 = tpu.memref_squeeze %dma_start3A_91 : memref<1x16x16xf32, #tpu.memory_space<hbm>> -> memref<16x16xf32, #tpu.memory_space<hbm>>
        %dma_start3A_93 = arith.constant 9984 : i32
        %dma_start3A_94 = arith.constant 0 : i32
        %dma_start3A_95 = tpu.memref_slice %arg9[%dma_start3A_93, %dma_start3A_94] : memref<10240x16xf32, #tpu.memory_space<vmem_shared>> -> memref<16x16xf32, #tpu.memory_space<vmem_shared>>
        tpu.enqueue_dma source(%dma_start3A_95 : memref<16x16xf32, #tpu.memory_space<vmem_shared>>) target(%dma_start3A_92 : memref<16x16xf32, #tpu.memory_space<hbm>>) target_semaphore(%run_scoped3A : memref<!tpu.dma_semaphore, #tpu.memory_space<semaphore_mem>>)
        %dma_wait3A_96 = arith.constant 9984 : i32
        %dma_wait3A_97 = arith.constant 0 : i32
        %dma_wait3A_98 = tpu.memref_slice %arg5[%arg0, %dma_wait3A_96, %dma_wait3A_97] : memref<2x10000x16xf32, #tpu.memory_space<hbm>> -> memref<1x16x16xf32, #tpu.memory_space<hbm>>
        %dma_wait3A_99 = tpu.memref_squeeze %dma_wait3A_98 : memref<1x16x16xf32, #tpu.memory_space<hbm>> -> memref<16x16xf32, #tpu.memory_space<hbm>>
        %dma_wait3A_100 = arith.constant 9984 : i32
        %dma_wait3A_101 = arith.constant 0 : i32
        %dma_wait3A_102 = tpu.memref_slice %arg9[%dma_wait3A_100, %dma_wait3A_101] : memref<10240x16xf32, #tpu.memory_space<vmem_shared>> -> memref<16x16xf32, #tpu.memory_space<vmem_shared>>
        tpu.wait_dma2 semaphore(%run_scoped3A : memref<!tpu.dma_semaphore, #tpu.memory_space<semaphore_mem>>) src(%dma_wait3A_102 : memref<16x16xf32, #tpu.memory_space<vmem_shared>>) dst(%dma_wait3A_99 : memref<16x16xf32, #tpu.memory_space<hbm>>)
        tpu.yield
      }) : () -> ()
    } else {
    }
    return
  }
}

#map = affine_map<(d0, d1) -> (0, 0, 0)>
#map1 = affine_map<(d0, d1) -> (0, 0)>
module attributes {stable_mosaic.version = 14 : i64} {
  func.func @_sc_combine_aggregate(%arg0: i32, %arg1: i32, %arg2: memref<2x10000x16xf32, #tpu.memory_space<hbm>>, %arg3: memref<10000x16xf32, #tpu.memory_space<hbm>>, %arg4: memref<1x16xf32, #tpu.memory_space<hbm>>, %arg5: memref<32x4x1280xi32, #tpu.memory_space<hbm>>, %arg6: memref<32x4x1280xi32, #tpu.memory_space<hbm>>, %arg7: memref<10000x16xf32, #tpu.memory_space<hbm>>, %arg8: memref<2x10000x16xf32, #tpu.memory_space<hbm>>, %arg9: memref<4x1280xi32, #tpu.memory_space<vmem>>, %arg10: memref<4x1280xi32, #tpu.memory_space<vmem>>, %arg11: memref<2x1280x16xf32, #tpu.memory_space<vmem>>, %arg12: memref<624x16xf32, #tpu.memory_space<vmem>>, %arg13: memref<624x16xf32, #tpu.memory_space<vmem>>, %arg14: memref<624x16xf32, #tpu.memory_space<vmem>>, %arg15: memref<16x16xf32, #tpu.memory_space<vmem>>, %arg16: memref<16x16xf32, #tpu.memory_space<vmem>>, %arg17: memref<16x16xf32, #tpu.memory_space<vmem>>, %arg18: memref<1x16xf32, #tpu.memory_space<vmem>>, %arg19: memref<10240x16xf32, #tpu.memory_space<vmem_shared>>, %arg20: memref<10240x16xf32, #tpu.memory_space<vmem_shared>>, %arg21: memref<!tpu.dma_semaphore, #tpu.memory_space<semaphore_mem>>) attributes {dimension_semantics = [#tpu.dimension_semantics<core_parallel>, #tpu.dimension_semantics<subcore_parallel>], iteration_bounds = array<i64: 2, 16>, scalar_prefetch = 0 : i64, scratch_operands = 13 : i64, tpu.core_type = #tpu.core_type<sc_vector_subcore>, window_params = [{transform_indices = #map}, {transform_indices = #map1}, {transform_indices = #map1}, {transform_indices = #map}, {transform_indices = #map}, {transform_indices = #map1}, {transform_indices = #map}]} {
    %mul3A = arith.constant 16 : i32
    %mul3A_0 = arith.muli %arg0, %mul3A : i32
    %add3A = arith.addi %mul3A_0, %arg1 : i32
    %dma_start3A = arith.constant 0 : i32
    %dma_start3A_1 = arith.constant 0 : i32
    %dma_start3A_2 = tpu.memref_slice %arg5[%add3A, %dma_start3A, %dma_start3A_1] : memref<32x4x1280xi32, #tpu.memory_space<hbm>> -> memref<1x4x1280xi32, #tpu.memory_space<hbm>>
    %dma_start3A_3 = tpu.memref_squeeze %dma_start3A_2 : memref<1x4x1280xi32, #tpu.memory_space<hbm>> -> memref<4x1280xi32, #tpu.memory_space<hbm>>
    %dma_start3A_4 = arith.constant 0 : i32
    %dma_start3A_5 = arith.constant 0 : i32
    %dma_start3A_6 = tpu.memref_slice %arg5[%add3A, %dma_start3A_4, %dma_start3A_5] : memref<32x4x1280xi32, #tpu.memory_space<hbm>> -> memref<1x4x1280xi32, #tpu.memory_space<hbm>>
    %dma_start3A_7 = tpu.memref_squeeze %dma_start3A_6 : memref<1x4x1280xi32, #tpu.memory_space<hbm>> -> memref<4x1280xi32, #tpu.memory_space<hbm>>
    tpu.enqueue_dma source(%dma_start3A_7 : memref<4x1280xi32, #tpu.memory_space<hbm>>) target(%arg9 : memref<4x1280xi32, #tpu.memory_space<vmem>>) target_semaphore(%arg21 : memref<!tpu.dma_semaphore, #tpu.memory_space<semaphore_mem>>)
    %dma_start3A_8 = arith.constant 0 : i32
    %dma_start3A_9 = arith.constant 0 : i32
    %dma_start3A_10 = tpu.memref_slice %arg6[%add3A, %dma_start3A_8, %dma_start3A_9] : memref<32x4x1280xi32, #tpu.memory_space<hbm>> -> memref<1x4x1280xi32, #tpu.memory_space<hbm>>
    %dma_start3A_11 = tpu.memref_squeeze %dma_start3A_10 : memref<1x4x1280xi32, #tpu.memory_space<hbm>> -> memref<4x1280xi32, #tpu.memory_space<hbm>>
    %dma_start3A_12 = arith.constant 0 : i32
    %dma_start3A_13 = arith.constant 0 : i32
    %dma_start3A_14 = tpu.memref_slice %arg6[%add3A, %dma_start3A_12, %dma_start3A_13] : memref<32x4x1280xi32, #tpu.memory_space<hbm>> -> memref<1x4x1280xi32, #tpu.memory_space<hbm>>
    %dma_start3A_15 = tpu.memref_squeeze %dma_start3A_14 : memref<1x4x1280xi32, #tpu.memory_space<hbm>> -> memref<4x1280xi32, #tpu.memory_space<hbm>>
    tpu.enqueue_dma source(%dma_start3A_15 : memref<4x1280xi32, #tpu.memory_space<hbm>>) target(%arg10 : memref<4x1280xi32, #tpu.memory_space<vmem>>) target_semaphore(%arg21 : memref<!tpu.dma_semaphore, #tpu.memory_space<semaphore_mem>>)
    tpu.enqueue_dma source(%arg4 : memref<1x16xf32, #tpu.memory_space<hbm>>) target(%arg18 : memref<1x16xf32, #tpu.memory_space<vmem>>) target_semaphore(%arg21 : memref<!tpu.dma_semaphore, #tpu.memory_space<semaphore_mem>>)
    %mul3A_16 = arith.constant 624 : i32
    %mul3A_17 = arith.muli %arg1, %mul3A_16 : i32
    %dma_start3A_18 = arith.constant 0 : i32
    %dma_start3A_19 = arith.constant 0 : i32
    %dma_start3A_20 = tpu.memref_slice %arg2[%dma_start3A_18, %mul3A_17, %dma_start3A_19] : memref<2x10000x16xf32, #tpu.memory_space<hbm>> -> memref<1x624x16xf32, #tpu.memory_space<hbm>>
    %dma_start3A_21 = tpu.memref_squeeze %dma_start3A_20 : memref<1x624x16xf32, #tpu.memory_space<hbm>> -> memref<624x16xf32, #tpu.memory_space<hbm>>
    %dma_start3A_22 = arith.constant 0 : i32
    %dma_start3A_23 = tpu.memref_slice %arg2[%dma_start3A_18, %mul3A_17, %dma_start3A_22] : memref<2x10000x16xf32, #tpu.memory_space<hbm>> -> memref<1x624x16xf32, #tpu.memory_space<hbm>>
    %dma_start3A_24 = tpu.memref_squeeze %dma_start3A_23 : memref<1x624x16xf32, #tpu.memory_space<hbm>> -> memref<624x16xf32, #tpu.memory_space<hbm>>
    tpu.enqueue_dma source(%dma_start3A_24 : memref<624x16xf32, #tpu.memory_space<hbm>>) target(%arg12 : memref<624x16xf32, #tpu.memory_space<vmem>>) target_semaphore(%arg21 : memref<!tpu.dma_semaphore, #tpu.memory_space<semaphore_mem>>)
    %dma_start3A_25 = arith.constant 1 : i32
    %dma_start3A_26 = arith.constant 0 : i32
    %dma_start3A_27 = tpu.memref_slice %arg2[%dma_start3A_25, %mul3A_17, %dma_start3A_26] : memref<2x10000x16xf32, #tpu.memory_space<hbm>> -> memref<1x624x16xf32, #tpu.memory_space<hbm>>
    %dma_start3A_28 = tpu.memref_squeeze %dma_start3A_27 : memref<1x624x16xf32, #tpu.memory_space<hbm>> -> memref<624x16xf32, #tpu.memory_space<hbm>>
    %dma_start3A_29 = arith.constant 0 : i32
    %dma_start3A_30 = tpu.memref_slice %arg2[%dma_start3A_25, %mul3A_17, %dma_start3A_29] : memref<2x10000x16xf32, #tpu.memory_space<hbm>> -> memref<1x624x16xf32, #tpu.memory_space<hbm>>
    %dma_start3A_31 = tpu.memref_squeeze %dma_start3A_30 : memref<1x624x16xf32, #tpu.memory_space<hbm>> -> memref<624x16xf32, #tpu.memory_space<hbm>>
    tpu.enqueue_dma source(%dma_start3A_31 : memref<624x16xf32, #tpu.memory_space<hbm>>) target(%arg13 : memref<624x16xf32, #tpu.memory_space<vmem>>) target_semaphore(%arg21 : memref<!tpu.dma_semaphore, #tpu.memory_space<semaphore_mem>>)
    %dma_start3A_32 = arith.constant 0 : i32
    %dma_start3A_33 = tpu.memref_slice %arg3[%mul3A_17, %dma_start3A_32] : memref<10000x16xf32, #tpu.memory_space<hbm>> -> memref<624x16xf32, #tpu.memory_space<hbm>>
    %dma_start3A_34 = arith.constant 0 : i32
    %dma_start3A_35 = tpu.memref_slice %arg3[%mul3A_17, %dma_start3A_34] : memref<10000x16xf32, #tpu.memory_space<hbm>> -> memref<624x16xf32, #tpu.memory_space<hbm>>
    tpu.enqueue_dma source(%dma_start3A_35 : memref<624x16xf32, #tpu.memory_space<hbm>>) target(%arg14 : memref<624x16xf32, #tpu.memory_space<vmem>>) target_semaphore(%arg21 : memref<!tpu.dma_semaphore, #tpu.memory_space<semaphore_mem>>)
    %eq3A = arith.constant 0 : i32
    %eq3A_36 = arith.cmpi eq, %arg1, %eq3A : i32
    %convert_element_type3A = arith.extui %eq3A_36 : i1 to i32
    %cond3A = arith.constant 0 : i32
    %cond3A_37 = arith.cmpi ne, %convert_element_type3A, %cond3A : i32
    scf.if %cond3A_37 {
      %dma_start3A_110 = arith.constant 0 : i32
      %dma_start3A_111 = arith.constant 9984 : i32
      %dma_start3A_112 = arith.constant 0 : i32
      %dma_start3A_113 = tpu.memref_slice %arg2[%dma_start3A_110, %dma_start3A_111, %dma_start3A_112] : memref<2x10000x16xf32, #tpu.memory_space<hbm>> -> memref<1x16x16xf32, #tpu.memory_space<hbm>>
      %dma_start3A_114 = tpu.memref_squeeze %dma_start3A_113 : memref<1x16x16xf32, #tpu.memory_space<hbm>> -> memref<16x16xf32, #tpu.memory_space<hbm>>
      %dma_start3A_115 = arith.constant 9984 : i32
      %dma_start3A_116 = arith.constant 0 : i32
      %dma_start3A_117 = tpu.memref_slice %arg2[%dma_start3A_110, %dma_start3A_115, %dma_start3A_116] : memref<2x10000x16xf32, #tpu.memory_space<hbm>> -> memref<1x16x16xf32, #tpu.memory_space<hbm>>
      %dma_start3A_118 = tpu.memref_squeeze %dma_start3A_117 : memref<1x16x16xf32, #tpu.memory_space<hbm>> -> memref<16x16xf32, #tpu.memory_space<hbm>>
      tpu.enqueue_dma source(%dma_start3A_118 : memref<16x16xf32, #tpu.memory_space<hbm>>) target(%arg15 : memref<16x16xf32, #tpu.memory_space<vmem>>) target_semaphore(%arg21 : memref<!tpu.dma_semaphore, #tpu.memory_space<semaphore_mem>>)
      %dma_start3A_119 = arith.constant 1 : i32
      %dma_start3A_120 = arith.constant 9984 : i32
      %dma_start3A_121 = arith.constant 0 : i32
      %dma_start3A_122 = tpu.memref_slice %arg2[%dma_start3A_119, %dma_start3A_120, %dma_start3A_121] : memref<2x10000x16xf32, #tpu.memory_space<hbm>> -> memref<1x16x16xf32, #tpu.memory_space<hbm>>
      %dma_start3A_123 = tpu.memref_squeeze %dma_start3A_122 : memref<1x16x16xf32, #tpu.memory_space<hbm>> -> memref<16x16xf32, #tpu.memory_space<hbm>>
      %dma_start3A_124 = arith.constant 9984 : i32
      %dma_start3A_125 = arith.constant 0 : i32
      %dma_start3A_126 = tpu.memref_slice %arg2[%dma_start3A_119, %dma_start3A_124, %dma_start3A_125] : memref<2x10000x16xf32, #tpu.memory_space<hbm>> -> memref<1x16x16xf32, #tpu.memory_space<hbm>>
      %dma_start3A_127 = tpu.memref_squeeze %dma_start3A_126 : memref<1x16x16xf32, #tpu.memory_space<hbm>> -> memref<16x16xf32, #tpu.memory_space<hbm>>
      tpu.enqueue_dma source(%dma_start3A_127 : memref<16x16xf32, #tpu.memory_space<hbm>>) target(%arg16 : memref<16x16xf32, #tpu.memory_space<vmem>>) target_semaphore(%arg21 : memref<!tpu.dma_semaphore, #tpu.memory_space<semaphore_mem>>)
      %dma_start3A_128 = arith.constant 9984 : i32
      %dma_start3A_129 = arith.constant 0 : i32
      %dma_start3A_130 = tpu.memref_slice %arg3[%dma_start3A_128, %dma_start3A_129] : memref<10000x16xf32, #tpu.memory_space<hbm>> -> memref<16x16xf32, #tpu.memory_space<hbm>>
      %dma_start3A_131 = arith.constant 9984 : i32
      %dma_start3A_132 = arith.constant 0 : i32
      %dma_start3A_133 = tpu.memref_slice %arg3[%dma_start3A_131, %dma_start3A_132] : memref<10000x16xf32, #tpu.memory_space<hbm>> -> memref<16x16xf32, #tpu.memory_space<hbm>>
      tpu.enqueue_dma source(%dma_start3A_133 : memref<16x16xf32, #tpu.memory_space<hbm>>) target(%arg17 : memref<16x16xf32, #tpu.memory_space<vmem>>) target_semaphore(%arg21 : memref<!tpu.dma_semaphore, #tpu.memory_space<semaphore_mem>>)
    } else {
    }
    %dma_wait3A = arith.constant 0 : i32
    %dma_wait3A_38 = arith.constant 0 : i32
    %dma_wait3A_39 = tpu.memref_slice %arg5[%add3A, %dma_wait3A, %dma_wait3A_38] : memref<32x4x1280xi32, #tpu.memory_space<hbm>> -> memref<1x4x1280xi32, #tpu.memory_space<hbm>>
    %dma_wait3A_40 = tpu.memref_squeeze %dma_wait3A_39 : memref<1x4x1280xi32, #tpu.memory_space<hbm>> -> memref<4x1280xi32, #tpu.memory_space<hbm>>
    %dma_wait3A_41 = arith.constant 0 : i32
    %dma_wait3A_42 = arith.constant 0 : i32
    %dma_wait3A_43 = tpu.memref_slice %arg5[%add3A, %dma_wait3A_41, %dma_wait3A_42] : memref<32x4x1280xi32, #tpu.memory_space<hbm>> -> memref<1x4x1280xi32, #tpu.memory_space<hbm>>
    %dma_wait3A_44 = tpu.memref_squeeze %dma_wait3A_43 : memref<1x4x1280xi32, #tpu.memory_space<hbm>> -> memref<4x1280xi32, #tpu.memory_space<hbm>>
    tpu.wait_dma2 semaphore(%arg21 : memref<!tpu.dma_semaphore, #tpu.memory_space<semaphore_mem>>) src(%dma_wait3A_44 : memref<4x1280xi32, #tpu.memory_space<hbm>>) dst(%arg9 : memref<4x1280xi32, #tpu.memory_space<vmem>>)
    %dma_wait3A_45 = arith.constant 0 : i32
    %dma_wait3A_46 = arith.constant 0 : i32
    %dma_wait3A_47 = tpu.memref_slice %arg6[%add3A, %dma_wait3A_45, %dma_wait3A_46] : memref<32x4x1280xi32, #tpu.memory_space<hbm>> -> memref<1x4x1280xi32, #tpu.memory_space<hbm>>
    %dma_wait3A_48 = tpu.memref_squeeze %dma_wait3A_47 : memref<1x4x1280xi32, #tpu.memory_space<hbm>> -> memref<4x1280xi32, #tpu.memory_space<hbm>>
    %dma_wait3A_49 = arith.constant 0 : i32
    %dma_wait3A_50 = arith.constant 0 : i32
    %dma_wait3A_51 = tpu.memref_slice %arg6[%add3A, %dma_wait3A_49, %dma_wait3A_50] : memref<32x4x1280xi32, #tpu.memory_space<hbm>> -> memref<1x4x1280xi32, #tpu.memory_space<hbm>>
    %dma_wait3A_52 = tpu.memref_squeeze %dma_wait3A_51 : memref<1x4x1280xi32, #tpu.memory_space<hbm>> -> memref<4x1280xi32, #tpu.memory_space<hbm>>
    tpu.wait_dma2 semaphore(%arg21 : memref<!tpu.dma_semaphore, #tpu.memory_space<semaphore_mem>>) src(%dma_wait3A_52 : memref<4x1280xi32, #tpu.memory_space<hbm>>) dst(%arg10 : memref<4x1280xi32, #tpu.memory_space<vmem>>)
    tpu.wait_dma2 semaphore(%arg21 : memref<!tpu.dma_semaphore, #tpu.memory_space<semaphore_mem>>) src(%arg4 : memref<1x16xf32, #tpu.memory_space<hbm>>) dst(%arg18 : memref<1x16xf32, #tpu.memory_space<vmem>>)
    %mul3A_53 = arith.constant 624 : i32
    %mul3A_54 = arith.muli %arg1, %mul3A_53 : i32
    %dma_wait3A_55 = arith.constant 0 : i32
    %dma_wait3A_56 = arith.constant 0 : i32
    %dma_wait3A_57 = tpu.memref_slice %arg2[%dma_wait3A_55, %mul3A_54, %dma_wait3A_56] : memref<2x10000x16xf32, #tpu.memory_space<hbm>> -> memref<1x624x16xf32, #tpu.memory_space<hbm>>
    %dma_wait3A_58 = tpu.memref_squeeze %dma_wait3A_57 : memref<1x624x16xf32, #tpu.memory_space<hbm>> -> memref<624x16xf32, #tpu.memory_space<hbm>>
    %dma_wait3A_59 = arith.constant 0 : i32
    %dma_wait3A_60 = tpu.memref_slice %arg2[%dma_wait3A_55, %mul3A_54, %dma_wait3A_59] : memref<2x10000x16xf32, #tpu.memory_space<hbm>> -> memref<1x624x16xf32, #tpu.memory_space<hbm>>
    %dma_wait3A_61 = tpu.memref_squeeze %dma_wait3A_60 : memref<1x624x16xf32, #tpu.memory_space<hbm>> -> memref<624x16xf32, #tpu.memory_space<hbm>>
    tpu.wait_dma2 semaphore(%arg21 : memref<!tpu.dma_semaphore, #tpu.memory_space<semaphore_mem>>) src(%dma_wait3A_61 : memref<624x16xf32, #tpu.memory_space<hbm>>) dst(%arg12 : memref<624x16xf32, #tpu.memory_space<vmem>>)
    %dma_wait3A_62 = arith.constant 1 : i32
    %dma_wait3A_63 = arith.constant 0 : i32
    %dma_wait3A_64 = tpu.memref_slice %arg2[%dma_wait3A_62, %mul3A_54, %dma_wait3A_63] : memref<2x10000x16xf32, #tpu.memory_space<hbm>> -> memref<1x624x16xf32, #tpu.memory_space<hbm>>
    %dma_wait3A_65 = tpu.memref_squeeze %dma_wait3A_64 : memref<1x624x16xf32, #tpu.memory_space<hbm>> -> memref<624x16xf32, #tpu.memory_space<hbm>>
    %dma_wait3A_66 = arith.constant 0 : i32
    %dma_wait3A_67 = tpu.memref_slice %arg2[%dma_wait3A_62, %mul3A_54, %dma_wait3A_66] : memref<2x10000x16xf32, #tpu.memory_space<hbm>> -> memref<1x624x16xf32, #tpu.memory_space<hbm>>
    %dma_wait3A_68 = tpu.memref_squeeze %dma_wait3A_67 : memref<1x624x16xf32, #tpu.memory_space<hbm>> -> memref<624x16xf32, #tpu.memory_space<hbm>>
    tpu.wait_dma2 semaphore(%arg21 : memref<!tpu.dma_semaphore, #tpu.memory_space<semaphore_mem>>) src(%dma_wait3A_68 : memref<624x16xf32, #tpu.memory_space<hbm>>) dst(%arg13 : memref<624x16xf32, #tpu.memory_space<vmem>>)
    %dma_wait3A_69 = arith.constant 0 : i32
    %dma_wait3A_70 = tpu.memref_slice %arg3[%mul3A_54, %dma_wait3A_69] : memref<10000x16xf32, #tpu.memory_space<hbm>> -> memref<624x16xf32, #tpu.memory_space<hbm>>
    %dma_wait3A_71 = arith.constant 0 : i32
    %dma_wait3A_72 = tpu.memref_slice %arg3[%mul3A_54, %dma_wait3A_71] : memref<10000x16xf32, #tpu.memory_space<hbm>> -> memref<624x16xf32, #tpu.memory_space<hbm>>
    tpu.wait_dma2 semaphore(%arg21 : memref<!tpu.dma_semaphore, #tpu.memory_space<semaphore_mem>>) src(%dma_wait3A_72 : memref<624x16xf32, #tpu.memory_space<hbm>>) dst(%arg14 : memref<624x16xf32, #tpu.memory_space<vmem>>)
    %mul3A_73 = arith.constant 624 : i32
    %mul3A_74 = arith.muli %arg1, %mul3A_73 : i32
    %get3A = arith.constant 0 : i32
    %get3A_75 = arith.index_cast %get3A : i32 to index
    %get3A_76 = arith.constant 0 : index
    %get3A_77 = tpu.vector_load %arg18[%get3A_75, %get3A_76] {strides = array<i32>} : memref<1x16xf32, #tpu.memory_space<vmem>>, vector<1x16xf32>,
    %get3A_78 = vector.shape_cast %get3A_77 : vector<1x16xf32> to vector<16xf32>
    %scan3A = arith.constant 0 : i32
    %scan3A_79 = arith.constant 0 : i32
    %scan3A_80 = arith.constant 624 : i32
    %scan3A_81 = arith.addi %scan3A_79, %scan3A_80 : i32
    %scan3A_82 = arith.constant 1 : i32
    scf.for %scan3A_110 = %scan3A_79 to %scan3A_81 step %scan3A_82  : i32 {
      %get3A_111 = arith.index_cast %scan3A_110 : i32 to index
      %get3A_112 = arith.constant 0 : index
      %get3A_113 = tpu.vector_load %arg12[%get3A_111, %get3A_112] {strides = array<i32>} : memref<624x16xf32, #tpu.memory_space<vmem>>, vector<1x16xf32>,
      %get3A_114 = vector.shape_cast %get3A_113 : vector<1x16xf32> to vector<16xf32>
      %get3A_115 = arith.index_cast %scan3A_110 : i32 to index
      %get3A_116 = arith.constant 0 : index
      %get3A_117 = tpu.vector_load %arg13[%get3A_115, %get3A_116] {strides = array<i32>} : memref<624x16xf32, #tpu.memory_space<vmem>>, vector<1x16xf32>,
      %get3A_118 = vector.shape_cast %get3A_117 : vector<1x16xf32> to vector<16xf32>
      %add3A_119 = arith.addf %get3A_114, %get3A_118 : vector<16xf32>
      %get3A_120 = arith.index_cast %scan3A_110 : i32 to index
      %get3A_121 = arith.constant 0 : index
      %get3A_122 = tpu.vector_load %arg14[%get3A_120, %get3A_121] {strides = array<i32>} : memref<624x16xf32, #tpu.memory_space<vmem>>, vector<1x16xf32>,
      %get3A_123 = vector.shape_cast %get3A_122 : vector<1x16xf32> to vector<16xf32>
      %sub3A = arith.subf %add3A_119, %get3A_123 : vector<16xf32>
      %add3A_124 = arith.addf %sub3A, %get3A_78 : vector<16xf32>
      %max3A = arith.constant 0.000000e+00 : f32
      %max3A_125 = vector.broadcast %max3A : f32 to vector<16xf32>
      %max3A_126 = arith.maximumf %add3A_124, %max3A_125 : vector<16xf32>
      %swap3A = arith.index_cast %scan3A_110 : i32 to index
      %swap3A_127 = arith.constant 0 : index
      %swap3A_128 = tpu.vector_load %arg12[%swap3A, %swap3A_127] {strides = array<i32>} : memref<624x16xf32, #tpu.memory_space<vmem>>, vector<1x16xf32>,
      %swap3A_129 = vector.shape_cast %swap3A_128 : vector<1x16xf32> to vector<16xf32>
      %swap3A_130 = vector.shape_cast %max3A_126 : vector<16xf32> to vector<1x16xf32>
      tpu.vector_store %arg12[%swap3A, %swap3A_127], %swap3A_130 {strides = array<i32>} : memref<624x16xf32, #tpu.memory_space<vmem>>, vector<1x16xf32>,
    }
    %scan3A_83 = arith.constant 624 : i32
    "tpu.region"() ({
      %run_scoped3A = tpu.sem_alloc : memref<!tpu.dma_semaphore, #tpu.memory_space<semaphore_mem>>
      %dma_start3A_110 = arith.constant 0 : i32
      %dma_start3A_111 = tpu.memref_slice %arg20[%mul3A_74, %dma_start3A_110] : memref<10240x16xf32, #tpu.memory_space<vmem_shared>> -> memref<624x16xf32, #tpu.memory_space<vmem_shared>>
      %dma_start3A_112 = arith.constant 0 : i32
      %dma_start3A_113 = tpu.memref_slice %arg20[%mul3A_74, %dma_start3A_112] : memref<10240x16xf32, #tpu.memory_space<vmem_shared>> -> memref<624x16xf32, #tpu.memory_space<vmem_shared>>
      tpu.enqueue_dma source(%arg12 : memref<624x16xf32, #tpu.memory_space<vmem>>) target(%dma_start3A_113 : memref<624x16xf32, #tpu.memory_space<vmem_shared>>) target_semaphore(%run_scoped3A : memref<!tpu.dma_semaphore, #tpu.memory_space<semaphore_mem>>)
      %dma_wait3A_114 = arith.constant 0 : i32
      %dma_wait3A_115 = tpu.memref_slice %arg20[%mul3A_74, %dma_wait3A_114] : memref<10240x16xf32, #tpu.memory_space<vmem_shared>> -> memref<624x16xf32, #tpu.memory_space<vmem_shared>>
      %dma_wait3A_116 = arith.constant 0 : i32
      %dma_wait3A_117 = tpu.memref_slice %arg20[%mul3A_74, %dma_wait3A_116] : memref<10240x16xf32, #tpu.memory_space<vmem_shared>> -> memref<624x16xf32, #tpu.memory_space<vmem_shared>>
      tpu.wait_dma2 semaphore(%run_scoped3A : memref<!tpu.dma_semaphore, #tpu.memory_space<semaphore_mem>>) src(%arg12 : memref<624x16xf32, #tpu.memory_space<vmem>>) dst(%dma_wait3A_117 : memref<624x16xf32, #tpu.memory_space<vmem_shared>>)
      tpu.yield
    }) : () -> ()
    "tpu.region"() ({
      %run_scoped3A = tpu.sem_alloc : memref<!tpu.dma_semaphore, #tpu.memory_space<semaphore_mem>>
      %dma_start3A_110 = arith.constant 0 : i32
      %dma_start3A_111 = tpu.memref_slice %arg19[%mul3A_74, %dma_start3A_110] : memref<10240x16xf32, #tpu.memory_space<vmem_shared>> -> memref<624x16xf32, #tpu.memory_space<vmem_shared>>
      %dma_start3A_112 = arith.constant 0 : i32
      %dma_start3A_113 = tpu.memref_slice %arg19[%mul3A_74, %dma_start3A_112] : memref<10240x16xf32, #tpu.memory_space<vmem_shared>> -> memref<624x16xf32, #tpu.memory_space<vmem_shared>>
      tpu.enqueue_dma source(%arg12 : memref<624x16xf32, #tpu.memory_space<vmem>>) target(%dma_start3A_113 : memref<624x16xf32, #tpu.memory_space<vmem_shared>>) target_semaphore(%run_scoped3A : memref<!tpu.dma_semaphore, #tpu.memory_space<semaphore_mem>>)
      %dma_wait3A_114 = arith.constant 0 : i32
      %dma_wait3A_115 = tpu.memref_slice %arg19[%mul3A_74, %dma_wait3A_114] : memref<10240x16xf32, #tpu.memory_space<vmem_shared>> -> memref<624x16xf32, #tpu.memory_space<vmem_shared>>
      %dma_wait3A_116 = arith.constant 0 : i32
      %dma_wait3A_117 = tpu.memref_slice %arg19[%mul3A_74, %dma_wait3A_116] : memref<10240x16xf32, #tpu.memory_space<vmem_shared>> -> memref<624x16xf32, #tpu.memory_space<vmem_shared>>
      tpu.wait_dma2 semaphore(%run_scoped3A : memref<!tpu.dma_semaphore, #tpu.memory_space<semaphore_mem>>) src(%arg12 : memref<624x16xf32, #tpu.memory_space<vmem>>) dst(%dma_wait3A_117 : memref<624x16xf32, #tpu.memory_space<vmem_shared>>)
      tpu.yield
    }) : () -> ()
    %eq3A_84 = arith.constant 0 : i32
    %eq3A_85 = arith.cmpi eq, %arg0, %eq3A_84 : i32
    %convert_element_type3A_86 = arith.extui %eq3A_85 : i1 to i32
    %cond3A_87 = arith.constant 0 : i32
    %cond3A_88 = arith.cmpi ne, %convert_element_type3A_86, %cond3A_87 : i32
    scf.if %cond3A_88 {
      "tpu.region"() ({
        %run_scoped3A = tpu.sem_alloc : memref<!tpu.dma_semaphore, #tpu.memory_space<semaphore_mem>>
        %dma_start3A_110 = arith.constant 0 : i32
        %dma_start3A_111 = tpu.memref_slice %arg7[%mul3A_74, %dma_start3A_110] : memref<10000x16xf32, #tpu.memory_space<hbm>> -> memref<624x16xf32, #tpu.memory_space<hbm>>
        %dma_start3A_112 = arith.constant 0 : i32
        %dma_start3A_113 = tpu.memref_slice %arg7[%mul3A_74, %dma_start3A_112] : memref<10000x16xf32, #tpu.memory_space<hbm>> -> memref<624x16xf32, #tpu.memory_space<hbm>>
        tpu.enqueue_dma source(%arg12 : memref<624x16xf32, #tpu.memory_space<vmem>>) target(%dma_start3A_113 : memref<624x16xf32, #tpu.memory_space<hbm>>) target_semaphore(%run_scoped3A : memref<!tpu.dma_semaphore, #tpu.memory_space<semaphore_mem>>)
        %dma_wait3A_114 = arith.constant 0 : i32
        %dma_wait3A_115 = tpu.memref_slice %arg7[%mul3A_74, %dma_wait3A_114] : memref<10000x16xf32, #tpu.memory_space<hbm>> -> memref<624x16xf32, #tpu.memory_space<hbm>>
        %dma_wait3A_116 = arith.constant 0 : i32
        %dma_wait3A_117 = tpu.memref_slice %arg7[%mul3A_74, %dma_wait3A_116] : memref<10000x16xf32, #tpu.memory_space<hbm>> -> memref<624x16xf32, #tpu.memory_space<hbm>>
        tpu.wait_dma2 semaphore(%run_scoped3A : memref<!tpu.dma_semaphore, #tpu.memory_space<semaphore_mem>>) src(%arg12 : memref<624x16xf32, #tpu.memory_space<vmem>>) dst(%dma_wait3A_117 : memref<624x16xf32, #tpu.memory_space<hbm>>)
        tpu.yield
      }) : () -> ()
    } else {
    }
    %eq3A_89 = arith.constant 0 : i32
    %eq3A_90 = arith.cmpi eq, %arg1, %eq3A_89 : i32
    %convert_element_type3A_91 = arith.extui %eq3A_90 : i1 to i32
    %cond3A_92 = arith.constant 0 : i32
    %cond3A_93 = arith.cmpi ne, %convert_element_type3A_91, %cond3A_92 : i32
    scf.if %cond3A_93 {
      %dma_wait3A_110 = arith.constant 0 : i32
      %dma_wait3A_111 = arith.constant 9984 : i32
      %dma_wait3A_112 = arith.constant 0 : i32
      %dma_wait3A_113 = tpu.memref_slice %arg2[%dma_wait3A_110, %dma_wait3A_111, %dma_wait3A_112] : memref<2x10000x16xf32, #tpu.memory_space<hbm>> -> memref<1x16x16xf32, #tpu.memory_space<hbm>>
      %dma_wait3A_114 = tpu.memref_squeeze %dma_wait3A_113 : memref<1x16x16xf32, #tpu.memory_space<hbm>> -> memref<16x16xf32, #tpu.memory_space<hbm>>
      %dma_wait3A_115 = arith.constant 9984 : i32
      %dma_wait3A_116 = arith.constant 0 : i32
      %dma_wait3A_117 = tpu.memref_slice %arg2[%dma_wait3A_110, %dma_wait3A_115, %dma_wait3A_116] : memref<2x10000x16xf32, #tpu.memory_space<hbm>> -> memref<1x16x16xf32, #tpu.memory_space<hbm>>
      %dma_wait3A_118 = tpu.memref_squeeze %dma_wait3A_117 : memref<1x16x16xf32, #tpu.memory_space<hbm>> -> memref<16x16xf32, #tpu.memory_space<hbm>>
      tpu.wait_dma2 semaphore(%arg21 : memref<!tpu.dma_semaphore, #tpu.memory_space<semaphore_mem>>) src(%dma_wait3A_118 : memref<16x16xf32, #tpu.memory_space<hbm>>) dst(%arg15 : memref<16x16xf32, #tpu.memory_space<vmem>>)
      %dma_wait3A_119 = arith.constant 1 : i32
      %dma_wait3A_120 = arith.constant 9984 : i32
      %dma_wait3A_121 = arith.constant 0 : i32
      %dma_wait3A_122 = tpu.memref_slice %arg2[%dma_wait3A_119, %dma_wait3A_120, %dma_wait3A_121] : memref<2x10000x16xf32, #tpu.memory_space<hbm>> -> memref<1x16x16xf32, #tpu.memory_space<hbm>>
      %dma_wait3A_123 = tpu.memref_squeeze %dma_wait3A_122 : memref<1x16x16xf32, #tpu.memory_space<hbm>> -> memref<16x16xf32, #tpu.memory_space<hbm>>
      %dma_wait3A_124 = arith.constant 9984 : i32
      %dma_wait3A_125 = arith.constant 0 : i32
      %dma_wait3A_126 = tpu.memref_slice %arg2[%dma_wait3A_119, %dma_wait3A_124, %dma_wait3A_125] : memref<2x10000x16xf32, #tpu.memory_space<hbm>> -> memref<1x16x16xf32, #tpu.memory_space<hbm>>
      %dma_wait3A_127 = tpu.memref_squeeze %dma_wait3A_126 : memref<1x16x16xf32, #tpu.memory_space<hbm>> -> memref<16x16xf32, #tpu.memory_space<hbm>>
      tpu.wait_dma2 semaphore(%arg21 : memref<!tpu.dma_semaphore, #tpu.memory_space<semaphore_mem>>) src(%dma_wait3A_127 : memref<16x16xf32, #tpu.memory_space<hbm>>) dst(%arg16 : memref<16x16xf32, #tpu.memory_space<vmem>>)
      %dma_wait3A_128 = arith.constant 9984 : i32
      %dma_wait3A_129 = arith.constant 0 : i32
      %dma_wait3A_130 = tpu.memref_slice %arg3[%dma_wait3A_128, %dma_wait3A_129] : memref<10000x16xf32, #tpu.memory_space<hbm>> -> memref<16x16xf32, #tpu.memory_space<hbm>>
      %dma_wait3A_131 = arith.constant 9984 : i32
      %dma_wait3A_132 = arith.constant 0 : i32
      %dma_wait3A_133 = tpu.memref_slice %arg3[%dma_wait3A_131, %dma_wait3A_132] : memref<10000x16xf32, #tpu.memory_space<hbm>> -> memref<16x16xf32, #tpu.memory_space<hbm>>
      tpu.wait_dma2 semaphore(%arg21 : memref<!tpu.dma_semaphore, #tpu.memory_space<semaphore_mem>>) src(%dma_wait3A_133 : memref<16x16xf32, #tpu.memory_space<hbm>>) dst(%arg17 : memref<16x16xf32, #tpu.memory_space<vmem>>)
      %get3A_134 = arith.constant 0 : i32
      %get3A_135 = arith.index_cast %get3A_134 : i32 to index
      %get3A_136 = arith.constant 0 : index
      %get3A_137 = tpu.vector_load %arg18[%get3A_135, %get3A_136] {strides = array<i32>} : memref<1x16xf32, #tpu.memory_space<vmem>>, vector<1x16xf32>,
      %get3A_138 = vector.shape_cast %get3A_137 : vector<1x16xf32> to vector<16xf32>
      %scan3A_139 = arith.constant 0 : i32
      %scan3A_140 = arith.constant 0 : i32
      %scan3A_141 = arith.constant 16 : i32
      %scan3A_142 = arith.addi %scan3A_140, %scan3A_141 : i32
      %scan3A_143 = arith.constant 1 : i32
      scf.for %scan3A_150 = %scan3A_140 to %scan3A_142 step %scan3A_143  : i32 {
        %get3A_151 = arith.index_cast %scan3A_150 : i32 to index
        %get3A_152 = arith.constant 0 : index
        %get3A_153 = tpu.vector_load %arg15[%get3A_151, %get3A_152] {strides = array<i32>} : memref<16x16xf32, #tpu.memory_space<vmem>>, vector<1x16xf32>,
        %get3A_154 = vector.shape_cast %get3A_153 : vector<1x16xf32> to vector<16xf32>
        %get3A_155 = arith.index_cast %scan3A_150 : i32 to index
        %get3A_156 = arith.constant 0 : index
        %get3A_157 = tpu.vector_load %arg16[%get3A_155, %get3A_156] {strides = array<i32>} : memref<16x16xf32, #tpu.memory_space<vmem>>, vector<1x16xf32>,
        %get3A_158 = vector.shape_cast %get3A_157 : vector<1x16xf32> to vector<16xf32>
        %add3A_159 = arith.addf %get3A_154, %get3A_158 : vector<16xf32>
        %get3A_160 = arith.index_cast %scan3A_150 : i32 to index
        %get3A_161 = arith.constant 0 : index
        %get3A_162 = tpu.vector_load %arg17[%get3A_160, %get3A_161] {strides = array<i32>} : memref<16x16xf32, #tpu.memory_space<vmem>>, vector<1x16xf32>,
        %get3A_163 = vector.shape_cast %get3A_162 : vector<1x16xf32> to vector<16xf32>
        %sub3A = arith.subf %add3A_159, %get3A_163 : vector<16xf32>
        %add3A_164 = arith.addf %sub3A, %get3A_138 : vector<16xf32>
        %max3A = arith.constant 0.000000e+00 : f32
        %max3A_165 = vector.broadcast %max3A : f32 to vector<16xf32>
        %max3A_166 = arith.maximumf %add3A_164, %max3A_165 : vector<16xf32>
        %swap3A = arith.index_cast %scan3A_150 : i32 to index
        %swap3A_167 = arith.constant 0 : index
        %swap3A_168 = tpu.vector_load %arg15[%swap3A, %swap3A_167] {strides = array<i32>} : memref<16x16xf32, #tpu.memory_space<vmem>>, vector<1x16xf32>,
        %swap3A_169 = vector.shape_cast %swap3A_168 : vector<1x16xf32> to vector<16xf32>
        %swap3A_170 = vector.shape_cast %max3A_166 : vector<16xf32> to vector<1x16xf32>
        tpu.vector_store %arg15[%swap3A, %swap3A_167], %swap3A_170 {strides = array<i32>} : memref<16x16xf32, #tpu.memory_space<vmem>>, vector<1x16xf32>,
      }
      %scan3A_144 = arith.constant 16 : i32
      "tpu.region"() ({
        %run_scoped3A = tpu.sem_alloc : memref<!tpu.dma_semaphore, #tpu.memory_space<semaphore_mem>>
        %dma_start3A_150 = arith.constant 9984 : i32
        %dma_start3A_151 = arith.constant 0 : i32
        %dma_start3A_152 = tpu.memref_slice %arg20[%dma_start3A_150, %dma_start3A_151] : memref<10240x16xf32, #tpu.memory_space<vmem_shared>> -> memref<16x16xf32, #tpu.memory_space<vmem_shared>>
        %dma_start3A_153 = arith.constant 9984 : i32
        %dma_start3A_154 = arith.constant 0 : i32
        %dma_start3A_155 = tpu.memref_slice %arg20[%dma_start3A_153, %dma_start3A_154] : memref<10240x16xf32, #tpu.memory_space<vmem_shared>> -> memref<16x16xf32, #tpu.memory_space<vmem_shared>>
        tpu.enqueue_dma source(%arg15 : memref<16x16xf32, #tpu.memory_space<vmem>>) target(%dma_start3A_155 : memref<16x16xf32, #tpu.memory_space<vmem_shared>>) target_semaphore(%run_scoped3A : memref<!tpu.dma_semaphore, #tpu.memory_space<semaphore_mem>>)
        %dma_wait3A_156 = arith.constant 9984 : i32
        %dma_wait3A_157 = arith.constant 0 : i32
        %dma_wait3A_158 = tpu.memref_slice %arg20[%dma_wait3A_156, %dma_wait3A_157] : memref<10240x16xf32, #tpu.memory_space<vmem_shared>> -> memref<16x16xf32, #tpu.memory_space<vmem_shared>>
        %dma_wait3A_159 = arith.constant 9984 : i32
        %dma_wait3A_160 = arith.constant 0 : i32
        %dma_wait3A_161 = tpu.memref_slice %arg20[%dma_wait3A_159, %dma_wait3A_160] : memref<10240x16xf32, #tpu.memory_space<vmem_shared>> -> memref<16x16xf32, #tpu.memory_space<vmem_shared>>
        tpu.wait_dma2 semaphore(%run_scoped3A : memref<!tpu.dma_semaphore, #tpu.memory_space<semaphore_mem>>) src(%arg15 : memref<16x16xf32, #tpu.memory_space<vmem>>) dst(%dma_wait3A_161 : memref<16x16xf32, #tpu.memory_space<vmem_shared>>)
        tpu.yield
      }) : () -> ()
      "tpu.region"() ({
        %run_scoped3A = tpu.sem_alloc : memref<!tpu.dma_semaphore, #tpu.memory_space<semaphore_mem>>
        %dma_start3A_150 = arith.constant 9984 : i32
        %dma_start3A_151 = arith.constant 0 : i32
        %dma_start3A_152 = tpu.memref_slice %arg19[%dma_start3A_150, %dma_start3A_151] : memref<10240x16xf32, #tpu.memory_space<vmem_shared>> -> memref<16x16xf32, #tpu.memory_space<vmem_shared>>
        %dma_start3A_153 = arith.constant 9984 : i32
        %dma_start3A_154 = arith.constant 0 : i32
        %dma_start3A_155 = tpu.memref_slice %arg19[%dma_start3A_153, %dma_start3A_154] : memref<10240x16xf32, #tpu.memory_space<vmem_shared>> -> memref<16x16xf32, #tpu.memory_space<vmem_shared>>
        tpu.enqueue_dma source(%arg15 : memref<16x16xf32, #tpu.memory_space<vmem>>) target(%dma_start3A_155 : memref<16x16xf32, #tpu.memory_space<vmem_shared>>) target_semaphore(%run_scoped3A : memref<!tpu.dma_semaphore, #tpu.memory_space<semaphore_mem>>)
        %dma_wait3A_156 = arith.constant 9984 : i32
        %dma_wait3A_157 = arith.constant 0 : i32
        %dma_wait3A_158 = tpu.memref_slice %arg19[%dma_wait3A_156, %dma_wait3A_157] : memref<10240x16xf32, #tpu.memory_space<vmem_shared>> -> memref<16x16xf32, #tpu.memory_space<vmem_shared>>
        %dma_wait3A_159 = arith.constant 9984 : i32
        %dma_wait3A_160 = arith.constant 0 : i32
        %dma_wait3A_161 = tpu.memref_slice %arg19[%dma_wait3A_159, %dma_wait3A_160] : memref<10240x16xf32, #tpu.memory_space<vmem_shared>> -> memref<16x16xf32, #tpu.memory_space<vmem_shared>>
        tpu.wait_dma2 semaphore(%run_scoped3A : memref<!tpu.dma_semaphore, #tpu.memory_space<semaphore_mem>>) src(%arg15 : memref<16x16xf32, #tpu.memory_space<vmem>>) dst(%dma_wait3A_161 : memref<16x16xf32, #tpu.memory_space<vmem_shared>>)
        tpu.yield
      }) : () -> ()
      %eq3A_145 = arith.constant 0 : i32
      %eq3A_146 = arith.cmpi eq, %arg0, %eq3A_145 : i32
      %convert_element_type3A_147 = arith.extui %eq3A_146 : i1 to i32
      %cond3A_148 = arith.constant 0 : i32
      %cond3A_149 = arith.cmpi ne, %convert_element_type3A_147, %cond3A_148 : i32
      scf.if %cond3A_149 {
        "tpu.region"() ({
          %run_scoped3A = tpu.sem_alloc : memref<!tpu.dma_semaphore, #tpu.memory_space<semaphore_mem>>
          %dma_start3A_150 = arith.constant 9984 : i32
          %dma_start3A_151 = arith.constant 0 : i32
          %dma_start3A_152 = tpu.memref_slice %arg7[%dma_start3A_150, %dma_start3A_151] : memref<10000x16xf32, #tpu.memory_space<hbm>> -> memref<16x16xf32, #tpu.memory_space<hbm>>
          %dma_start3A_153 = arith.constant 9984 : i32
          %dma_start3A_154 = arith.constant 0 : i32
          %dma_start3A_155 = tpu.memref_slice %arg7[%dma_start3A_153, %dma_start3A_154] : memref<10000x16xf32, #tpu.memory_space<hbm>> -> memref<16x16xf32, #tpu.memory_space<hbm>>
          tpu.enqueue_dma source(%arg15 : memref<16x16xf32, #tpu.memory_space<vmem>>) target(%dma_start3A_155 : memref<16x16xf32, #tpu.memory_space<hbm>>) target_semaphore(%run_scoped3A : memref<!tpu.dma_semaphore, #tpu.memory_space<semaphore_mem>>)
          %dma_wait3A_156 = arith.constant 9984 : i32
          %dma_wait3A_157 = arith.constant 0 : i32
          %dma_wait3A_158 = tpu.memref_slice %arg7[%dma_wait3A_156, %dma_wait3A_157] : memref<10000x16xf32, #tpu.memory_space<hbm>> -> memref<16x16xf32, #tpu.memory_space<hbm>>
          %dma_wait3A_159 = arith.constant 9984 : i32
          %dma_wait3A_160 = arith.constant 0 : i32
          %dma_wait3A_161 = tpu.memref_slice %arg7[%dma_wait3A_159, %dma_wait3A_160] : memref<10000x16xf32, #tpu.memory_space<hbm>> -> memref<16x16xf32, #tpu.memory_space<hbm>>
          tpu.wait_dma2 semaphore(%run_scoped3A : memref<!tpu.dma_semaphore, #tpu.memory_space<semaphore_mem>>) src(%arg15 : memref<16x16xf32, #tpu.memory_space<vmem>>) dst(%dma_wait3A_161 : memref<16x16xf32, #tpu.memory_space<hbm>>)
          tpu.yield
        }) : () -> ()
      } else {
      }
    } else {
    }
    %barrier3A = arith.constant 0 : index
    tpu.barrier barrier_id(%barrier3A)
    %scan3A_94 = arith.constant 0 : i32
    %scan3A_95 = arith.constant 0 : i32
    %scan3A_96 = arith.constant 2 : i32
    %scan3A_97 = arith.addi %scan3A_95, %scan3A_96 : i32
    %scan3A_98 = arith.constant 1 : i32
    scf.for %scan3A_110 = %scan3A_95 to %scan3A_97 step %scan3A_98  : i32 {
      %mul3A_111 = arith.constant 2 : i32
      %mul3A_112 = arith.muli %mul3A_111, %scan3A_110 : i32
      %add3A_113 = arith.constant 0 : i32
      %add3A_114 = arith.addi %mul3A_112, %add3A_113 : i32
      %dma_start3A_115 = arith.constant 0 : i32
      %dma_start3A_116 = arith.constant 0 : i32
      %dma_start3A_117 = arith.constant 0 : i32
      %dma_start3A_118 = tpu.memref_slice %arg11[%dma_start3A_115, %dma_start3A_116, %dma_start3A_117] : memref<2x1280x16xf32, #tpu.memory_space<vmem>> -> memref<1x1280x16xf32, #tpu.memory_space<vmem>>
      %dma_start3A_119 = tpu.memref_squeeze %dma_start3A_118 : memref<1x1280x16xf32, #tpu.memory_space<vmem>> -> memref<1280x16xf32, #tpu.memory_space<vmem>>
      %dma_start3A_120 = arith.constant 0 : i32
      %dma_start3A_121 = tpu.memref_slice %arg9[%add3A_114, %dma_start3A_120] : memref<4x1280xi32, #tpu.memory_space<vmem>> -> memref<1x1280xi32, #tpu.memory_space<vmem>>
      %dma_start3A_122 = tpu.memref_squeeze %dma_start3A_121 : memref<1x1280xi32, #tpu.memory_space<vmem>> -> memref<1280xi32, #tpu.memory_space<vmem>>
      %dma_start3A_123 = arith.constant 0 : i32
      %dma_start3A_124 = arith.constant 0 : i32
      %dma_start3A_125 = tpu.memref_slice %arg20[%dma_start3A_123, %dma_start3A_124] : memref<10240x16xf32, #tpu.memory_space<vmem_shared>> -> memref<10240x16xf32, #tpu.memory_space<vmem_shared>>
      tpu.enqueue_indirect_dma source(%dma_start3A_125 : memref<10240x16xf32, #tpu.memory_space<vmem_shared>>) target(%dma_start3A_119 : memref<1280x16xf32, #tpu.memory_space<vmem>>) offsets(%dma_start3A_122 : memref<1280xi32, #tpu.memory_space<vmem>>) semaphore(%arg21 : memref<!tpu.dma_semaphore, #tpu.memory_space<semaphore_mem>>)
      %mul3A_126 = arith.constant 2 : i32
      %mul3A_127 = arith.muli %mul3A_126, %scan3A_110 : i32
      %add3A_128 = arith.constant 1 : i32
      %add3A_129 = arith.addi %mul3A_127, %add3A_128 : i32
      %dma_start3A_130 = arith.constant 1 : i32
      %dma_start3A_131 = arith.constant 0 : i32
      %dma_start3A_132 = arith.constant 0 : i32
      %dma_start3A_133 = tpu.memref_slice %arg11[%dma_start3A_130, %dma_start3A_131, %dma_start3A_132] : memref<2x1280x16xf32, #tpu.memory_space<vmem>> -> memref<1x1280x16xf32, #tpu.memory_space<vmem>>
      %dma_start3A_134 = tpu.memref_squeeze %dma_start3A_133 : memref<1x1280x16xf32, #tpu.memory_space<vmem>> -> memref<1280x16xf32, #tpu.memory_space<vmem>>
      %dma_start3A_135 = arith.constant 0 : i32
      %dma_start3A_136 = tpu.memref_slice %arg9[%add3A_129, %dma_start3A_135] : memref<4x1280xi32, #tpu.memory_space<vmem>> -> memref<1x1280xi32, #tpu.memory_space<vmem>>
      %dma_start3A_137 = tpu.memref_squeeze %dma_start3A_136 : memref<1x1280xi32, #tpu.memory_space<vmem>> -> memref<1280xi32, #tpu.memory_space<vmem>>
      %dma_start3A_138 = arith.constant 0 : i32
      %dma_start3A_139 = arith.constant 0 : i32
      %dma_start3A_140 = tpu.memref_slice %arg20[%dma_start3A_138, %dma_start3A_139] : memref<10240x16xf32, #tpu.memory_space<vmem_shared>> -> memref<10240x16xf32, #tpu.memory_space<vmem_shared>>
      tpu.enqueue_indirect_dma source(%dma_start3A_140 : memref<10240x16xf32, #tpu.memory_space<vmem_shared>>) target(%dma_start3A_134 : memref<1280x16xf32, #tpu.memory_space<vmem>>) offsets(%dma_start3A_137 : memref<1280xi32, #tpu.memory_space<vmem>>) semaphore(%arg21 : memref<!tpu.dma_semaphore, #tpu.memory_space<semaphore_mem>>)
      %mul3A_141 = arith.constant 2 : i32
      %mul3A_142 = arith.muli %mul3A_141, %scan3A_110 : i32
      %add3A_143 = arith.constant 0 : i32
      %add3A_144 = arith.addi %mul3A_142, %add3A_143 : i32
      %dma_wait3A_145 = arith.constant 0 : i32
      %dma_wait3A_146 = arith.constant 0 : i32
      %dma_wait3A_147 = arith.constant 0 : i32
      %dma_wait3A_148 = tpu.memref_slice %arg11[%dma_wait3A_145, %dma_wait3A_146, %dma_wait3A_147] : memref<2x1280x16xf32, #tpu.memory_space<vmem>> -> memref<1x1280x16xf32, #tpu.memory_space<vmem>>
      %dma_wait3A_149 = tpu.memref_squeeze %dma_wait3A_148 : memref<1x1280x16xf32, #tpu.memory_space<vmem>> -> memref<1280x16xf32, #tpu.memory_space<vmem>>
      %dma_wait3A_150 = arith.constant 0 : i32
      %dma_wait3A_151 = tpu.memref_slice %arg9[%add3A_144, %dma_wait3A_150] : memref<4x1280xi32, #tpu.memory_space<vmem>> -> memref<1x1280xi32, #tpu.memory_space<vmem>>
      %dma_wait3A_152 = tpu.memref_squeeze %dma_wait3A_151 : memref<1x1280xi32, #tpu.memory_space<vmem>> -> memref<1280xi32, #tpu.memory_space<vmem>>
      %dma_wait3A_153 = arith.constant 0 : i32
      %dma_wait3A_154 = arith.constant 0 : i32
      %dma_wait3A_155 = tpu.memref_slice %arg20[%dma_wait3A_153, %dma_wait3A_154] : memref<10240x16xf32, #tpu.memory_space<vmem_shared>> -> memref<10240x16xf32, #tpu.memory_space<vmem_shared>>
      tpu.wait_indirect_dma semaphore(%arg21 : memref<!tpu.dma_semaphore, #tpu.memory_space<semaphore_mem>>) src(%dma_wait3A_155 : memref<10240x16xf32, #tpu.memory_space<vmem_shared>>) dst(%dma_wait3A_149 : memref<1280x16xf32, #tpu.memory_space<vmem>>)
      %mul3A_156 = arith.constant 2 : i32
      %mul3A_157 = arith.muli %mul3A_156, %scan3A_110 : i32
      %add3A_158 = arith.constant 1 : i32
      %add3A_159 = arith.addi %mul3A_157, %add3A_158 : i32
      %dma_wait3A_160 = arith.constant 1 : i32
      %dma_wait3A_161 = arith.constant 0 : i32
      %dma_wait3A_162 = arith.constant 0 : i32
      %dma_wait3A_163 = tpu.memref_slice %arg11[%dma_wait3A_160, %dma_wait3A_161, %dma_wait3A_162] : memref<2x1280x16xf32, #tpu.memory_space<vmem>> -> memref<1x1280x16xf32, #tpu.memory_space<vmem>>
      %dma_wait3A_164 = tpu.memref_squeeze %dma_wait3A_163 : memref<1x1280x16xf32, #tpu.memory_space<vmem>> -> memref<1280x16xf32, #tpu.memory_space<vmem>>
      %dma_wait3A_165 = arith.constant 0 : i32
      %dma_wait3A_166 = tpu.memref_slice %arg9[%add3A_159, %dma_wait3A_165] : memref<4x1280xi32, #tpu.memory_space<vmem>> -> memref<1x1280xi32, #tpu.memory_space<vmem>>
      %dma_wait3A_167 = tpu.memref_squeeze %dma_wait3A_166 : memref<1x1280xi32, #tpu.memory_space<vmem>> -> memref<1280xi32, #tpu.memory_space<vmem>>
      %dma_wait3A_168 = arith.constant 0 : i32
      %dma_wait3A_169 = arith.constant 0 : i32
      %dma_wait3A_170 = tpu.memref_slice %arg20[%dma_wait3A_168, %dma_wait3A_169] : memref<10240x16xf32, #tpu.memory_space<vmem_shared>> -> memref<10240x16xf32, #tpu.memory_space<vmem_shared>>
      tpu.wait_indirect_dma semaphore(%arg21 : memref<!tpu.dma_semaphore, #tpu.memory_space<semaphore_mem>>) src(%dma_wait3A_170 : memref<10240x16xf32, #tpu.memory_space<vmem_shared>>) dst(%dma_wait3A_164 : memref<1280x16xf32, #tpu.memory_space<vmem>>)
      %mul3A_171 = arith.constant 2 : i32
      %mul3A_172 = arith.muli %mul3A_171, %scan3A_110 : i32
      %add3A_173 = arith.constant 0 : i32
      %add3A_174 = arith.addi %mul3A_172, %add3A_173 : i32
      %dma_start3A_175 = arith.constant 0 : i32
      %dma_start3A_176 = arith.constant 0 : i32
      %dma_start3A_177 = arith.constant 0 : i32
      %dma_start3A_178 = tpu.memref_slice %arg11[%dma_start3A_175, %dma_start3A_176, %dma_start3A_177] : memref<2x1280x16xf32, #tpu.memory_space<vmem>> -> memref<1x1280x16xf32, #tpu.memory_space<vmem>>
      %dma_start3A_179 = tpu.memref_squeeze %dma_start3A_178 : memref<1x1280x16xf32, #tpu.memory_space<vmem>> -> memref<1280x16xf32, #tpu.memory_space<vmem>>
      %dma_start3A_180 = arith.constant 0 : i32
      %dma_start3A_181 = tpu.memref_slice %arg10[%add3A_174, %dma_start3A_180] : memref<4x1280xi32, #tpu.memory_space<vmem>> -> memref<1x1280xi32, #tpu.memory_space<vmem>>
      %dma_start3A_182 = tpu.memref_squeeze %dma_start3A_181 : memref<1x1280xi32, #tpu.memory_space<vmem>> -> memref<1280xi32, #tpu.memory_space<vmem>>
      %dma_start3A_183 = arith.constant 0 : i32
      %dma_start3A_184 = arith.constant 0 : i32
      %dma_start3A_185 = tpu.memref_slice %arg19[%dma_start3A_183, %dma_start3A_184] : memref<10240x16xf32, #tpu.memory_space<vmem_shared>> -> memref<10240x16xf32, #tpu.memory_space<vmem_shared>>
      tpu.enqueue_indirect_dma source(%dma_start3A_179 : memref<1280x16xf32, #tpu.memory_space<vmem>>) target(%dma_start3A_185 : memref<10240x16xf32, #tpu.memory_space<vmem_shared>>) offsets(%dma_start3A_182 : memref<1280xi32, #tpu.memory_space<vmem>>) semaphore(%arg21 : memref<!tpu.dma_semaphore, #tpu.memory_space<semaphore_mem>>) {add = true}
      %mul3A_186 = arith.constant 2 : i32
      %mul3A_187 = arith.muli %mul3A_186, %scan3A_110 : i32
      %add3A_188 = arith.constant 1 : i32
      %add3A_189 = arith.addi %mul3A_187, %add3A_188 : i32
      %dma_start3A_190 = arith.constant 1 : i32
      %dma_start3A_191 = arith.constant 0 : i32
      %dma_start3A_192 = arith.constant 0 : i32
      %dma_start3A_193 = tpu.memref_slice %arg11[%dma_start3A_190, %dma_start3A_191, %dma_start3A_192] : memref<2x1280x16xf32, #tpu.memory_space<vmem>> -> memref<1x1280x16xf32, #tpu.memory_space<vmem>>
      %dma_start3A_194 = tpu.memref_squeeze %dma_start3A_193 : memref<1x1280x16xf32, #tpu.memory_space<vmem>> -> memref<1280x16xf32, #tpu.memory_space<vmem>>
      %dma_start3A_195 = arith.constant 0 : i32
      %dma_start3A_196 = tpu.memref_slice %arg10[%add3A_189, %dma_start3A_195] : memref<4x1280xi32, #tpu.memory_space<vmem>> -> memref<1x1280xi32, #tpu.memory_space<vmem>>
      %dma_start3A_197 = tpu.memref_squeeze %dma_start3A_196 : memref<1x1280xi32, #tpu.memory_space<vmem>> -> memref<1280xi32, #tpu.memory_space<vmem>>
      %dma_start3A_198 = arith.constant 0 : i32
      %dma_start3A_199 = arith.constant 0 : i32
      %dma_start3A_200 = tpu.memref_slice %arg19[%dma_start3A_198, %dma_start3A_199] : memref<10240x16xf32, #tpu.memory_space<vmem_shared>> -> memref<10240x16xf32, #tpu.memory_space<vmem_shared>>
      tpu.enqueue_indirect_dma source(%dma_start3A_194 : memref<1280x16xf32, #tpu.memory_space<vmem>>) target(%dma_start3A_200 : memref<10240x16xf32, #tpu.memory_space<vmem_shared>>) offsets(%dma_start3A_197 : memref<1280xi32, #tpu.memory_space<vmem>>) semaphore(%arg21 : memref<!tpu.dma_semaphore, #tpu.memory_space<semaphore_mem>>) {add = true}
      %mul3A_201 = arith.constant 2 : i32
      %mul3A_202 = arith.muli %mul3A_201, %scan3A_110 : i32
      %add3A_203 = arith.constant 0 : i32
      %add3A_204 = arith.addi %mul3A_202, %add3A_203 : i32
      %dma_wait3A_205 = arith.constant 0 : i32
      %dma_wait3A_206 = arith.constant 0 : i32
      %dma_wait3A_207 = arith.constant 0 : i32
      %dma_wait3A_208 = tpu.memref_slice %arg11[%dma_wait3A_205, %dma_wait3A_206, %dma_wait3A_207] : memref<2x1280x16xf32, #tpu.memory_space<vmem>> -> memref<1x1280x16xf32, #tpu.memory_space<vmem>>
      %dma_wait3A_209 = tpu.memref_squeeze %dma_wait3A_208 : memref<1x1280x16xf32, #tpu.memory_space<vmem>> -> memref<1280x16xf32, #tpu.memory_space<vmem>>
      %dma_wait3A_210 = arith.constant 0 : i32
      %dma_wait3A_211 = tpu.memref_slice %arg10[%add3A_204, %dma_wait3A_210] : memref<4x1280xi32, #tpu.memory_space<vmem>> -> memref<1x1280xi32, #tpu.memory_space<vmem>>
      %dma_wait3A_212 = tpu.memref_squeeze %dma_wait3A_211 : memref<1x1280xi32, #tpu.memory_space<vmem>> -> memref<1280xi32, #tpu.memory_space<vmem>>
      %dma_wait3A_213 = arith.constant 0 : i32
      %dma_wait3A_214 = arith.constant 0 : i32
      %dma_wait3A_215 = tpu.memref_slice %arg19[%dma_wait3A_213, %dma_wait3A_214] : memref<10240x16xf32, #tpu.memory_space<vmem_shared>> -> memref<10240x16xf32, #tpu.memory_space<vmem_shared>>
      tpu.wait_indirect_dma semaphore(%arg21 : memref<!tpu.dma_semaphore, #tpu.memory_space<semaphore_mem>>) src(%dma_wait3A_209 : memref<1280x16xf32, #tpu.memory_space<vmem>>) dst(%dma_wait3A_215 : memref<10240x16xf32, #tpu.memory_space<vmem_shared>>)
      %mul3A_216 = arith.constant 2 : i32
      %mul3A_217 = arith.muli %mul3A_216, %scan3A_110 : i32
      %add3A_218 = arith.constant 1 : i32
      %add3A_219 = arith.addi %mul3A_217, %add3A_218 : i32
      %dma_wait3A_220 = arith.constant 1 : i32
      %dma_wait3A_221 = arith.constant 0 : i32
      %dma_wait3A_222 = arith.constant 0 : i32
      %dma_wait3A_223 = tpu.memref_slice %arg11[%dma_wait3A_220, %dma_wait3A_221, %dma_wait3A_222] : memref<2x1280x16xf32, #tpu.memory_space<vmem>> -> memref<1x1280x16xf32, #tpu.memory_space<vmem>>
      %dma_wait3A_224 = tpu.memref_squeeze %dma_wait3A_223 : memref<1x1280x16xf32, #tpu.memory_space<vmem>> -> memref<1280x16xf32, #tpu.memory_space<vmem>>
      %dma_wait3A_225 = arith.constant 0 : i32
      %dma_wait3A_226 = tpu.memref_slice %arg10[%add3A_219, %dma_wait3A_225] : memref<4x1280xi32, #tpu.memory_space<vmem>> -> memref<1x1280xi32, #tpu.memory_space<vmem>>
      %dma_wait3A_227 = tpu.memref_squeeze %dma_wait3A_226 : memref<1x1280xi32, #tpu.memory_space<vmem>> -> memref<1280xi32, #tpu.memory_space<vmem>>
      %dma_wait3A_228 = arith.constant 0 : i32
      %dma_wait3A_229 = arith.constant 0 : i32
      %dma_wait3A_230 = tpu.memref_slice %arg19[%dma_wait3A_228, %dma_wait3A_229] : memref<10240x16xf32, #tpu.memory_space<vmem_shared>> -> memref<10240x16xf32, #tpu.memory_space<vmem_shared>>
      tpu.wait_indirect_dma semaphore(%arg21 : memref<!tpu.dma_semaphore, #tpu.memory_space<semaphore_mem>>) src(%dma_wait3A_224 : memref<1280x16xf32, #tpu.memory_space<vmem>>) dst(%dma_wait3A_230 : memref<10240x16xf32, #tpu.memory_space<vmem_shared>>)
    }
    %scan3A_99 = arith.constant 2 : i32
    %barrier3A_100 = arith.constant 0 : index
    tpu.barrier barrier_id(%barrier3A_100)
    %mul3A_101 = arith.constant 624 : i32
    %mul3A_102 = arith.muli %arg1, %mul3A_101 : i32
    %mul3A_103 = arith.constant 624 : i32
    %mul3A_104 = arith.muli %arg1, %mul3A_103 : i32
    "tpu.region"() ({
      %run_scoped3A = tpu.sem_alloc : memref<!tpu.dma_semaphore, #tpu.memory_space<semaphore_mem>>
      %dma_start3A_110 = arith.constant 0 : i32
      %dma_start3A_111 = tpu.memref_slice %arg8[%arg0, %mul3A_104, %dma_start3A_110] : memref<2x10000x16xf32, #tpu.memory_space<hbm>> -> memref<1x624x16xf32, #tpu.memory_space<hbm>>
      %dma_start3A_112 = tpu.memref_squeeze %dma_start3A_111 : memref<1x624x16xf32, #tpu.memory_space<hbm>> -> memref<624x16xf32, #tpu.memory_space<hbm>>
      %dma_start3A_113 = arith.constant 0 : i32
      %dma_start3A_114 = tpu.memref_slice %arg19[%mul3A_102, %dma_start3A_113] : memref<10240x16xf32, #tpu.memory_space<vmem_shared>> -> memref<624x16xf32, #tpu.memory_space<vmem_shared>>
      tpu.enqueue_dma source(%dma_start3A_114 : memref<624x16xf32, #tpu.memory_space<vmem_shared>>) target(%dma_start3A_112 : memref<624x16xf32, #tpu.memory_space<hbm>>) target_semaphore(%run_scoped3A : memref<!tpu.dma_semaphore, #tpu.memory_space<semaphore_mem>>)
      %dma_wait3A_115 = arith.constant 0 : i32
      %dma_wait3A_116 = tpu.memref_slice %arg8[%arg0, %mul3A_104, %dma_wait3A_115] : memref<2x10000x16xf32, #tpu.memory_space<hbm>> -> memref<1x624x16xf32, #tpu.memory_space<hbm>>
      %dma_wait3A_117 = tpu.memref_squeeze %dma_wait3A_116 : memref<1x624x16xf32, #tpu.memory_space<hbm>> -> memref<624x16xf32, #tpu.memory_space<hbm>>
      %dma_wait3A_118 = arith.constant 0 : i32
      %dma_wait3A_119 = tpu.memref_slice %arg19[%mul3A_102, %dma_wait3A_118] : memref<10240x16xf32, #tpu.memory_space<vmem_shared>> -> memref<624x16xf32, #tpu.memory_space<vmem_shared>>
      tpu.wait_dma2 semaphore(%run_scoped3A : memref<!tpu.dma_semaphore, #tpu.memory_space<semaphore_mem>>) src(%dma_wait3A_119 : memref<624x16xf32, #tpu.memory_space<vmem_shared>>) dst(%dma_wait3A_117 : memref<624x16xf32, #tpu.memory_space<hbm>>)
      tpu.yield
    }) : () -> ()
    %eq3A_105 = arith.constant 0 : i32
    %eq3A_106 = arith.cmpi eq, %arg1, %eq3A_105 : i32
    %convert_element_type3A_107 = arith.extui %eq3A_106 : i1 to i32
    %cond3A_108 = arith.constant 0 : i32
    %cond3A_109 = arith.cmpi ne, %convert_element_type3A_107, %cond3A_108 : i32
    scf.if %cond3A_109 {
      "tpu.region"() ({
        %run_scoped3A = tpu.sem_alloc : memref<!tpu.dma_semaphore, #tpu.memory_space<semaphore_mem>>
        %dma_start3A_110 = arith.constant 9984 : i32
        %dma_start3A_111 = arith.constant 0 : i32
        %dma_start3A_112 = tpu.memref_slice %arg8[%arg0, %dma_start3A_110, %dma_start3A_111] : memref<2x10000x16xf32, #tpu.memory_space<hbm>> -> memref<1x16x16xf32, #tpu.memory_space<hbm>>
        %dma_start3A_113 = tpu.memref_squeeze %dma_start3A_112 : memref<1x16x16xf32, #tpu.memory_space<hbm>> -> memref<16x16xf32, #tpu.memory_space<hbm>>
        %dma_start3A_114 = arith.constant 9984 : i32
        %dma_start3A_115 = arith.constant 0 : i32
        %dma_start3A_116 = tpu.memref_slice %arg19[%dma_start3A_114, %dma_start3A_115] : memref<10240x16xf32, #tpu.memory_space<vmem_shared>> -> memref<16x16xf32, #tpu.memory_space<vmem_shared>>
        tpu.enqueue_dma source(%dma_start3A_116 : memref<16x16xf32, #tpu.memory_space<vmem_shared>>) target(%dma_start3A_113 : memref<16x16xf32, #tpu.memory_space<hbm>>) target_semaphore(%run_scoped3A : memref<!tpu.dma_semaphore, #tpu.memory_space<semaphore_mem>>)
        %dma_wait3A_117 = arith.constant 9984 : i32
        %dma_wait3A_118 = arith.constant 0 : i32
        %dma_wait3A_119 = tpu.memref_slice %arg8[%arg0, %dma_wait3A_117, %dma_wait3A_118] : memref<2x10000x16xf32, #tpu.memory_space<hbm>> -> memref<1x16x16xf32, #tpu.memory_space<hbm>>
        %dma_wait3A_120 = tpu.memref_squeeze %dma_wait3A_119 : memref<1x16x16xf32, #tpu.memory_space<hbm>> -> memref<16x16xf32, #tpu.memory_space<hbm>>
        %dma_wait3A_121 = arith.constant 9984 : i32
        %dma_wait3A_122 = arith.constant 0 : i32
        %dma_wait3A_123 = tpu.memref_slice %arg19[%dma_wait3A_121, %dma_wait3A_122] : memref<10240x16xf32, #tpu.memory_space<vmem_shared>> -> memref<16x16xf32, #tpu.memory_space<vmem_shared>>
        tpu.wait_dma2 semaphore(%run_scoped3A : memref<!tpu.dma_semaphore, #tpu.memory_space<semaphore_mem>>) src(%dma_wait3A_123 : memref<16x16xf32, #tpu.memory_space<vmem_shared>>) dst(%dma_wait3A_120 : memref<16x16xf32, #tpu.memory_space<hbm>>)
        tpu.yield
      }) : () -> ()
    } else {
    }
    return
  }
}

module attributes {stable_mosaic.version = 14 : i64} {
  func.func @_mm1_body(%arg0: i32, %arg1: memref<2000x1433xf32, #tpu.memory_space<vmem>>, %arg2: memref<1433x128xf32, #tpu.memory_space<vmem>>, %arg3: memref<2000x16xf32, #tpu.memory_space<vmem>>) attributes {dimension_semantics = [#tpu.dimension_semantics<arbitrary>], iteration_bounds = array<i64: 5>, scalar_prefetch = 0 : i64, scratch_operands = 0 : i64, tpu.core_type = #tpu.core_type<tc>, window_params = [{transform_indices = @transform_0, window_bounds = array<i64: 2000, 1433>}, {pipeline_mode = #tpu.pipeline_mode<synchronous>, transform_indices = @transform_1, window_bounds = array<i64: 1433, 128>}, {transform_indices = @transform_2, window_bounds = array<i64: 2000, 16>}]} {
    %get3A = arith.constant 0 : index
    %get3A_0 = arith.constant 0 : index
    %get3A_1 = vector.load %arg1[%get3A, %get3A_0] : memref<2000x1433xf32, #tpu.memory_space<vmem>>, vector<2000x1433xf32>
    %get3A_2 = arith.constant 0 : index
    %get3A_3 = arith.constant 0 : index
    %get3A_4 = vector.load %arg2[%get3A_2, %get3A_3] : memref<1433x128xf32, #tpu.memory_space<vmem>>, vector<1433x128xf32>
    %dot_general3A = arith.constant dense<0.000000e+00> : vector<2000x128xf32>
    %dot_general3A_5 = tpu.matmul %get3A_1, %get3A_4, %dot_general3A {dimension_numbers = #tpu.dot_dimension_numbers<[1], [0], [0], [1], [0, 0, 1, 1], [], []>, transpose_lhs_hint = false} : vector<2000x1433xf32>, vector<1433x128xf32>, vector<2000x128xf32> -> vector<2000x128xf32>
    %slice3A = vector.extract_strided_slice %dot_general3A_5 {offsets = [0, 0], sizes = [2000, 16], strides = [1, 1]} : vector<2000x128xf32> to vector<2000x16xf32>
    %swap3A = arith.constant 0 : index
    %swap3A_6 = arith.constant 0 : index
    %swap3A_7 = vector.load %arg3[%swap3A, %swap3A_6] : memref<2000x16xf32, #tpu.memory_space<vmem>>, vector<2000x16xf32>
    tpu.vector_store %arg3[%swap3A, %swap3A_6], %slice3A {strides = array<i32>} : memref<2000x16xf32, #tpu.memory_space<vmem>>, vector<2000x16xf32>,
    return
  }
  func.func @transform_0(%arg0: i32) -> (i32, i32) {
    %c0_i32 = arith.constant 0 : i32
    %c0_i32_0 = arith.constant 0 : i32
    return %arg0, %c0_i32 : i32, i32
  }
  func.func @transform_1(%arg0: i32) -> (i32, i32) {
    %c0_i32 = arith.constant 0 : i32
    %c0_i32_0 = arith.constant 0 : i32
    %c0_i32_1 = arith.constant 0 : i32
    return %c0_i32, %c0_i32_0 : i32, i32
  }
  func.func @transform_2(%arg0: i32) -> (i32, i32) {
    %c0_i32 = arith.constant 0 : i32
    %c0_i32_0 = arith.constant 0 : i32
    return %arg0, %c0_i32 : i32, i32
  }
}

module attributes {stable_mosaic.version = 14 : i64} {
  func.func @_mm2_body(%arg0: i32, %arg1: memref<2x2000x16xf32, #tpu.memory_space<vmem>>, %arg2: memref<2000x16xf32, #tpu.memory_space<vmem>>, %arg3: memref<16x8xf32, #tpu.memory_space<vmem>>, %arg4: memref<1x8xf32, #tpu.memory_space<vmem>>, %arg5: memref<2000x8xf32, #tpu.memory_space<vmem>>) attributes {dimension_semantics = [#tpu.dimension_semantics<arbitrary>], iteration_bounds = array<i64: 5>, scalar_prefetch = 0 : i64, scratch_operands = 0 : i64, tpu.core_type = #tpu.core_type<tc>, window_params = [{transform_indices = @transform_0, window_bounds = array<i64: 2, 2000, 16>}, {transform_indices = @transform_1, window_bounds = array<i64: 2000, 16>}, {pipeline_mode = #tpu.pipeline_mode<synchronous>, transform_indices = @transform_2, window_bounds = array<i64: 16, 8>}, {pipeline_mode = #tpu.pipeline_mode<synchronous>, transform_indices = @transform_3, window_bounds = array<i64: 1, 8>}, {transform_indices = @transform_4, window_bounds = array<i64: 2000, 8>}]} {
    %get3A = arith.constant 0 : index
    %get3A_0 = arith.constant 0 : index
    %get3A_1 = arith.constant 0 : index
    %get3A_2 = vector.load %arg1[%get3A, %get3A_0, %get3A_1] : memref<2x2000x16xf32, #tpu.memory_space<vmem>>, vector<1x2000x16xf32>
    %get3A_3 = vector.shape_cast %get3A_2 : vector<1x2000x16xf32> to vector<2000x16xf32>
    %get3A_4 = arith.constant 1 : index
    %get3A_5 = arith.constant 0 : index
    %get3A_6 = arith.constant 0 : index
    %get3A_7 = vector.load %arg1[%get3A_4, %get3A_5, %get3A_6] : memref<2x2000x16xf32, #tpu.memory_space<vmem>>, vector<1x2000x16xf32>
    %get3A_8 = vector.shape_cast %get3A_7 : vector<1x2000x16xf32> to vector<2000x16xf32>
    %add3A = arith.addf %get3A_3, %get3A_8 : vector<2000x16xf32>
    %get3A_9 = arith.constant 0 : index
    %get3A_10 = arith.constant 0 : index
    %get3A_11 = vector.load %arg2[%get3A_9, %get3A_10] : memref<2000x16xf32, #tpu.memory_space<vmem>>, vector<2000x16xf32>
    %sub3A = arith.subf %add3A, %get3A_11 : vector<2000x16xf32>
    %get3A_12 = arith.constant 0 : index
    %get3A_13 = arith.constant 0 : index
    %get3A_14 = vector.load %arg3[%get3A_12, %get3A_13] : memref<16x8xf32, #tpu.memory_space<vmem>>, vector<16x8xf32>
    %dot_general3A = arith.constant dense<0.000000e+00> : vector<2000x8xf32>
    %dot_general3A_15 = tpu.matmul %sub3A, %get3A_14, %dot_general3A {dimension_numbers = #tpu.dot_dimension_numbers<[1], [0], [0], [1], [0, 0, 1, 1], [], []>, transpose_lhs_hint = false} : vector<2000x16xf32>, vector<16x8xf32>, vector<2000x8xf32> -> vector<2000x8xf32>
    %get3A_16 = arith.constant 0 : index
    %get3A_17 = arith.constant 0 : index
    %get3A_18 = vector.load %arg4[%get3A_16, %get3A_17] : memref<1x8xf32, #tpu.memory_space<vmem>>, vector<1x8xf32>
    %add3A_19 = vector.broadcast %get3A_18 : vector<1x8xf32> to vector<2000x8xf32>
    %add3A_20 = arith.addf %dot_general3A_15, %add3A_19 : vector<2000x8xf32>
    %swap3A = arith.constant 0 : index
    %swap3A_21 = arith.constant 0 : index
    %swap3A_22 = vector.load %arg5[%swap3A, %swap3A_21] : memref<2000x8xf32, #tpu.memory_space<vmem>>, vector<2000x8xf32>
    tpu.vector_store %arg5[%swap3A, %swap3A_21], %add3A_20 {strides = array<i32>} : memref<2000x8xf32, #tpu.memory_space<vmem>>, vector<2000x8xf32>,
    return
  }
  func.func @transform_0(%arg0: i32) -> (i32, i32, i32) {
    %c0_i32 = arith.constant 0 : i32
    %c0_i32_0 = arith.constant 0 : i32
    %c0_i32_1 = arith.constant 0 : i32
    return %c0_i32, %arg0, %c0_i32_0 : i32, i32, i32
  }
  func.func @transform_1(%arg0: i32) -> (i32, i32) {
    %c0_i32 = arith.constant 0 : i32
    %c0_i32_0 = arith.constant 0 : i32
    return %arg0, %c0_i32 : i32, i32
  }
  func.func @transform_2(%arg0: i32) -> (i32, i32) {
    %c0_i32 = arith.constant 0 : i32
    %c0_i32_0 = arith.constant 0 : i32
    %c0_i32_1 = arith.constant 0 : i32
    return %c0_i32, %c0_i32_0 : i32, i32
  }
  func.func @transform_3(%arg0: i32) -> (i32, i32) {
    %c0_i32 = arith.constant 0 : i32
    %c0_i32_0 = arith.constant 0 : i32
    %c0_i32_1 = arith.constant 0 : i32
    return %c0_i32, %c0_i32_0 : i32, i32
  }
  func.func @transform_4(%arg0: i32) -> (i32, i32) {
    %c0_i32 = arith.constant 0 : i32
    %c0_i32_0 = arith.constant 0 : i32
    return %arg0, %c0_i32 : i32, i32
  }
}

</mosaic_0001>

<sc_bundles>
// kernel: kernel.6.cloned.1.call-start
scs
__scs_entry_jumppad:
0x0: {  	(pc) =	sbr.rel $0x88, $3  }
0x1: {  	(tag) =	ssettag $0x0;
	lr =	simm.s32 $0x1  }
0x2: {  	[smem:$0x3F9B] =	sst lr;
	_ =	strace $0xD0000000  }
0x3: {  	_ = 	snop  }
0x4: {  	_ = 	snop  }
0x5: {  	_ = 	snop  }
0x6: {  	_ = 	snop  }
0x7: {  	_ = 	snop  }
__scs_overlays_trampoline_lowered:
0x8: {  	[smem:$0x3FAA] =	sst s0  }
0x9: {  	[smem:$0x3FAB] =	sst s1  }
0xa: {  	[smem:$0x3FAC] =	sst s2  }
0xb: {  	[smem:$0x3FAD] =	sst s3  }
0xc: {  	[smem:$0x3FAE] =	sst s4  }
0xd: {  	[smem:$0x3FAF] =	sst s5  }
0xe: {  	[smem:$0x3FB0] =	sst s6  }
0xf: {  	[smem:$0x3FB1] =	sst s7  }
0x10: {  	[smem:$0x3FB2] =	sst s8  }
0x11: {  	[smem:$0x3FB3] =	sst s9;
	s0 =	simm.s32 @!p0 $0x0  }
0x12: {  	s1 =	sld [smem:$0x3F99];
	s0 =	simm.s32 @p0 $0x1  }
0x13: {  	[smem:$0x3FB4] =	sst s0;
	s0 =	simm.s32 @!p1 $0x0  }
0x14: {  	s2 =	sld [smem:$0x3F98];
	s0 =	simm.s32 @p1 $0x1  }
0x15: {  	[smem:$0x3FB5] =	sst s0;
	s0 =	simm.s32 @!p2 $0x0  }
0x16: {  	s3 =	sld [smem:$0x3FDB];
	s0 =	simm.s32 @p2 $0x1  }
0x17: {  	s4 =	simm.s32 $0x1BF5;
	[smem:$0x3FB7] =	sst s0  }
0x18: {  	s0 =	sld [smem:$0x3F9A];
	_ =	swait.ge [sflag:s4], $0x0  }
0x19: {  	s7 =	sld [smem:$0x3F9B]  }
0x1a: {  	s8 =	sadd.s32 $0xFFFFE003, lr  }
0x1b: {  	s9 =	sadd.s32 $0xFFFFFEF7, lr;
	s5 =	simm.s32 $0xFFFFFFFF;
	p2 =	slt.u32 s8, $0xFFFFF086  }
0x1c: {  	p1 =	slt.u32 s9, $0xF7A;
	s5 =	simm.s32 @!p2 $0x0  }
0x1d: {  	s5 =	simm.s32 @p1 $0x1;
	p0 =	seq.s32 s7, s2  }
0x1e: {  	s7 =	smul.u32 @!p0 $0xF7A, s2;
	p2 =	seq.s32 @!p0 s5, $0x0  }
0x1f: {  	s9 =	smul.u32 $0xF7A, s1;
	s8 =	simm.s32 @!p0 $0x1BF5;
	p2 =	por !p2, p0  }
0x20: {  	[sflag:s8] =	ssyncset.s32 @!p0 $0xFFFFF086;
	s6 =	sadd.s32 @!p0 s3, s7;
	s7 =	simm.s32 @!p0 $0x108  }
0x21: {  	s3 =	sadd.s32 s3, s9;
	s6 =	sadd.s32 @!p0 $0x88, s6;
	s7 =	simm.s32 @p2 $0x1082  }
0x22: {  	[simem:s7], [sflag:s8] =	dma.local @!p0 [hbm:s6], $0xF7A  }
0x23: {  	s9 =	sor.u32 $0xD0000000, s2;
	s6 =	simm.s32 $0x108;
	_ =	swait.ge @!p0 [sflag:s8], $0x0  }
0x24: {  	s3 =	sadd.s32 $0x88, s3;
	s6 =	simm.s32 @!p1 $0x1082;
	[sflag:s4] =	ssyncset.s32 $0xFFFFF086  }
0x25: {  	[simem:s6], [sflag:s4] =	dma.local [hbm:s3], $0xF7A  }
0x26: {  	[smem:$0x3F9B] =	sst s1;
	(tag) =	ssettag s2;
	_ =	strace s9  }
0x27: {  	s1 =	sld [smem:$0x3FAB]  }
0x28: {  	s2 =	sld [smem:$0x3FAC]  }
0x29: {  	s4 =	sld [smem:$0x3FAE]  }
0x2a: {  	p0 =	seq.s32 s5, $0x0;
	s5 =	sld [smem:$0x3FAF]  }
0x2b: {  	s6 =	sld [smem:$0x3FB0]  }
0x2c: {  	s7 =	sld [smem:$0x3FB1]  }
0x2d: {  	s3 =	simm.s32 $0x108;
	s8 =	sld [smem:$0x3FB2]  }
0x2e: {  	s3 =	simm.s32 @!p0 $0x1082;
	s9 =	sld [smem:$0x3FB3]  }
0x2f: {  	lr =	sadd.s32 s0, s3;
	s0 =	sld [smem:$0x3FAA]  }
0x30: {  	s3 =	sld [smem:$0x3FAD]  }
0x31: {  	[smem:$0x3FB6] =	sst s10  }
0x32: {  	s10 =	sld [smem:$0x3FB4];
	_ =	sdelay $0x3  }
0x33: {  	p0 =	seq.s32 s10, $0x1;
	s10 =	sld [smem:$0x3FB6];
	_ =	sdelay $0x3  }
0x34: {  	[smem:$0x3FB6] =	sst s10  }
0x35: {  	s10 =	sld [smem:$0x3FB5];
	_ =	sdelay $0x3  }
0x36: {  	p1 =	seq.s32 s10, $0x1;
	s10 =	sld [smem:$0x3FB6];
	_ =	sdelay $0x3  }
0x37: {  	[smem:$0x3FB6] =	sst s10  }
0x38: {  	s10 =	sld [smem:$0x3FB7]  }
0x39: {  	_ = 	snop;
	(pc) =	sbr.ind lr, $3  }
0x3a: {  	_ = 	snop  }
0x3b: {  	_ = 	snop  }
0x3c: {  	p2 =	seq.s32 s10, $0x1;
	s10 =	sld [smem:$0x3FB6]  }
0x3d: {  	_ =	shalt  }
0x3e: {  	_ =	shalt  }
0x3f: {  	_ =	shalt  }
0x40: {  	_ =	shalt  }
0x41: {  	_ =	shalt  }
0x42: {  	_ =	shalt  }
0x43: {  	_ =	shalt  }
0x44: {  	_ =	shalt  }
0x45: {  	_ =	shalt  }
0x46: {  	_ =	shalt  }
0x47: {  	_ =	shalt  }
0x48: {  	_ =	shalt  }
0x49: {  	_ =	shalt  }
0x4a: {  	_ =	shalt  }
0x4b: {  	_ =	shalt  }
0x4c: {  	_ =	shalt  }
0x4d: {  	_ =	shalt  }
0x4e: {  	_ =	shalt  }
0x4f: {  	_ =	shalt  }
0x50: {  	_ =	shalt  }
0x51: {  	_ =	shalt  }
0x52: {  	_ =	shalt  }
0x53: {  	_ =	shalt  }
0x54: {  	_ =	shalt  }
0x55: {  	_ =	shalt  }
0x56: {  	_ =	shalt  }
0x57: {  	_ =	shalt  }
0x58: {  	_ =	shalt  }
0x59: {  	_ =	shalt  }
0x5a: {  	_ =	shalt  }
0x5b: {  	_ =	shalt  }
0x5c: {  	_ =	shalt  }
0x5d: {  	_ =	shalt  }
0x5e: {  	_ =	shalt  }
0x5f: {  	_ =	shalt  }
0x60: {  	_ =	shalt  }
0x61: {  	_ =	shalt  }
0x62: {  	_ =	shalt  }
0x63: {  	_ =	shalt  }
0x64: {  	_ =	shalt  }
0x65: {  	_ =	shalt  }
0x66: {  	_ =	shalt  }
0x67: {  	_ =	shalt  }
0x68: {  	_ =	shalt  }
0x69: {  	_ =	shalt  }
0x6a: {  	_ =	shalt  }
0x6b: {  	_ =	shalt  }
0x6c: {  	_ =	shalt  }
0x6d: {  	_ =	shalt  }
0x6e: {  	_ =	shalt  }
0x6f: {  	_ =	shalt  }
0x70: {  	_ =	shalt  }
0x71: {  	_ =	shalt  }
0x72: {  	_ =	shalt  }
0x73: {  	_ =	shalt  }
0x74: {  	_ =	shalt  }
0x75: {  	_ =	shalt  }
0x76: {  	_ =	shalt  }
0x77: {  	_ =	shalt  }
0x78: {  	_ =	shalt  }
0x79: {  	_ =	shalt  }
0x7a: {  	_ =	shalt  }
0x7b: {  	_ =	shalt  }
0x7c: {  	_ =	shalt  }
0x7d: {  	_ =	shalt  }
0x7e: {  	_ =	shalt  }
0x7f: {  	_ =	shalt  }
0x80: {  	_ =	shalt  }
0x81: {  	_ =	shalt  }
0x82: {  	_ =	shalt  }
0x83: {  	_ =	shalt  }
0x84: {  	_ =	shalt  }
0x85: {  	_ =	shalt  }
0x86: {  	_ =	shalt  }
0x87: {  	_ =	shalt  }
.Lfunc_end0:
.L_simem_size_0:
called_computation_lowered:
.L_overlay_start_0:
0x88: {  	s2 =	sld [smem:$0x3FD9]  }
0x89: {  	s3 =	sld [smem:$0x3FFE];
	_ =	sdelay $0x1  }
0x8a: {  	s1 =	srdreg.scid  }
0x8b: {  	s0 =	sand.u32 $0x1, s1  }
0x8c: {  	s16 =	sshll.u32 s0, $0xA;
	s2 =	sadd.s32 s3, s2  }
0x8d: {  	s2 =	sadd.s32 s2, s16  }
0x8e: {  	[smem:$0x3FC2] =	sst s2  }
0x8f: {  	_ = 	snop  }
0x90: {  	(tm) =	ssettm $0x1  }
0x91: {  	s17 =	sld [smem:$0x3FFB];
	_ =	sdelay $0x3  }
0x92: {  	_ =	strace s17  }
0x93: {  	s2 =	sld [smem:$0x3FFC];
	_ =	sdelay $0x3  }
0x94: {  	_ =	strace s2  }
0x95: {  	s2 =	sld [smem:$0x3FFD];
	_ =	sdelay $0x3  }
0x96: {  	_ =	strace s2  }
0x97: {  	_ =	strace $0x8FFFFFFF  }
0x98: {  	s18 =	sld [smem:$0x3FDB];
	_ =	sdelay $0x1  }
0x99: {  	s19 =	simm.s32 $_scs_section_size  }
0x9a: {  	s4 =	simm.s32 $_size__tile_overlayer_lowered;
	s5 =	simm.s32 $_tile_overlayer_lowered  }
0x9b: {  	s22 =	simm.s32 $0x1BFF;
	s21 =	sshll.u32 s5, $0x1;
	s2 =	sadd.s32 s19, s18  }
0x9c: {  	s6 =	simm.s32 $0x0;
	s20 =	sshll.u32 s4, $0x1;
	s4 =	sadd.s32 s21, s2  }
0x9d: {  	[timem:s6], [sflag:s22] =	dma.local [hbm:s4], s20  }
0x9e: {  	_ =	swait.ge [sflag:s22], s20  }
0x9f: {  	s3 =	ssub.s32 $0x0, s20;
	[sflag:s22] =	ssyncset.done $0x0  }
0xa0: {  	[sflag:s22] =	ssyncadd.s32 s3;
	_ =	sdelay $0x1  }
0xa1: {  	s23 =	simm.s32 $0x1B8B  }
0xa2: {  	_ =	swait.ge [sflag:s23], $0x1  }
0xa3: {  	[sflag:s23] =	ssyncset.done $0x0  }
0xa4: {  	s25 =	simm.s32 $0x1B8E;
	s24 =	sld [smem:$0x3FFE];
	[sflag:s23] =	ssyncadd.s32 $0xFFFFFFFF  }
0xa5: {  	s26 =	simm.s32 $execute0_lowered;
	[smem:$0x3FD2] =	sst s25  }
0xa6: {  	s4 =	sshll.u32 s26, $0x1;
	_ =	strace $0x80000046;
	[dreg:$0x1] =	wrdreg $0xFFFFFFFF  }
0xa7: {  	s28 =	simm.s32 $_size_execute0_lowered;
	s2 =	sadd.s32 s2, s4;
	[dreg:$0x0] =	wrdreg $0x0  }
0xa8: {  	s4 =	sshll.u32 s28, $0x1;
	[dreg:$0x2] =	wrdreg s2  }
0xa9: {  	[dreg:$0x3] =	wrdreg s4  }
0xaa: {  	[dreg:$0x4] =	wrdreg $0xC0  }
0xab: {  	_ =	task [dreg:s6], $0x5FFFF  }
0xac: {  	[dreg:$0x1] =	wrdreg $0xFFFFFFFF  }
0xad: {  	[dreg:$0x0] =	wrdreg $0x60  }
0xae: {  	[dreg:$0x2] =	wrdreg s24  }
0xaf: {  	[dreg:$0x3] =	wrdreg $0x190000  }
0xb0: {  	[dreg:$0x4] =	wrdreg $0x168000  }
0xb1: {  	[dreg:$0x5] =	wrdreg $0x9  }
0xb2: {  	_ =	task.clear_ibuf [dreg:s6], $0x6FFFF;
	_ =	strace $0x90000046  }
0xb3: {  	s29 =	simm.s32 $0x9;
	_ =	strace $0x80000048  }
0xb4: {  	_ =	swait.ge [sflag:s29], $0x1  }
0xb5: {  	[sflag:s29] =	ssyncadd.s32 $0xFFFFFFFF  }
0xb6: {  	_ =	strace $0x90000048  }
0xb7: {  	_ =	sfence  }
0xb8: {  	s30 =	sld [smem:$0x0];
	_ =	sdelay $0x2  }
0xb9: {  	s31 =	sshll.u32 s1, $0xD;
	s1 =	sshrl.u32 s1, $0x2  }
0xba: {  	s3 =	sand.u32 $0x4000, s31;
	s1 =	sadd.s32 s1, s30  }
0xbb: {  	s0 =	sor.u32 s3, s0;
	s1 =	sshll.u32 s1, $0x11  }
0xbc: {  	s0 =	sor.u32 s1, s0  }
0xbd: {  	s0 =	sadd.s32 $0x8F2B, s0  }
0xbe: {  	[sflag:s0] =	ssyncadd.remote.s32 $0x1  }
0xbf: {  	_ =	sfence.sel $0xFFFF  }
0xc0: {  	[dreg:$0x0] =	wrdreg $0xFFFFFFFF;
	(pc) =	sbr.abs _section_cstart, $3  }
0xc1: {  	[dreg:$0x1] =	wrdreg $0xFFFFFFFF  }
0xc2: {  	_ =	task.clear_ibuf [dreg:s6], $0x2FFFF;
	_ =	strace $0x9FFFFFFF  }
0xc3: {  	(tm) =	ssettm $0x7FFFFFFF  }
tec
execute0_lowered:
.L_overlay_start_1:
0x0: {  	(tag) =	ssettag $0x1  }
0x1: {  	s0 =	rddreg [dreg:$0x0]  }
0x2: {  	s3 =	rddreg [dreg:$0x1]  }
0x3: {  	s2 =	srdreg.scid;
	s1 =	rddreg [dreg:$0x2]  }
0x4: {  	s28 =	rddreg [dreg:$0x3];
	s7 =	stileid.u32;
	s6 =	simm.s32 $0x0  }
0x5: {  	s15 =	simm.s32 $0xC800;
	s16 =	simm.s32 $0x11800;
	s17 =	simm.s32 $0x1900  }
0x6: {  	s18 =	simm.s32 $0x1E00;
	p1 =	por $0x0, $0x0;
	s19 =	simm.s32 $0x2300  }
0x7: {  	s4 =	sand.u32 $0x1, s2;
	s5 =	smul.u32 $0x2700, s7;
	[smem:$0x7FF] =	sst s6  }
0x8: {  	s10 =	sadd.s32 $0xFE00, s0;
	s30 =	sshll.u32 s7, $0x6;
	s13 =	sadd.s32 $0x27000, s3  }
0x9: {  	s24 =	sadd.s32 $0x5C00, s0;
	s14 =	sadd.s32 $0x27000, s1;
	p0 =	sne.s32 s7, $0x0  }
0xa: {  	s2 =	sshll.u32 s4, $0x4;
	_ =	strace $0x80000047;
	s9 =	ssub.s32 $0x2, s4  }
0xb: {  	s4 =	smul.u32 $0x27100, s4;
	s21 =	sor.u32 $0x1C01, s30;
	s2 =	sor.u32 s7, s2  }
0xc: {  	s8 =	sshrl.u32 s5, $0x3;
	s11 =	sshrl.u32 s9, $0x1;
	s20 =	sadd.s32 s5, s3  }
0xd: {  	s22 =	sadd.s32 s5, s1;
	s7 =	sshrl.u32 @!p0 s14, $0x3;
	s14 =	simm.s32 $0x7800  }
0xe: {  	s2 =	smul.u32 $0x280, s2;
	s8 =	sadd.s32 s8, s0;
	s9 =	ssub.s32 s9, s11  }
0xf: {  	s5 =	sadd.s32 s5, s4;
	s4 =	sshrl.u32 s4, $0x3;
	s11 =	simm.s32 $0x1400  }
0x10: {  	s23 =	sadd.s32 $0xE00, s8;
	s25 =	sshrl.u32 s5, $0x3;
	s31 =	smax.u32 s9, $0x1  }
0x11: {  	s26 =	sadd.s32 s10, s4;
	s8 =	sshrl.u32 s22, $0x3;
	s29 =	sadd.s32 $0xFFFFFFFF, s31  }
0x12: {  	s9 =	simm.s32 $0x1;
	s22 =	simm.s32 $0xF00;
	p2 =	sne.s32 s29, $0x0  }
.Ltmp0:
0x13: {  	s2 =	sadd.s32 s2, s0;
	s5 =	sadd.s32 s10, s25;
	(pc) =	sbr.rel @!p2 .LBB2_1-.Ltmp0, $4  }
0x14: {  	s4 =	sadd.s32 $0x4E00, s26;
	s25 =	sshrl.u32 s20, $0x3;
	s12 =	sadd.s32 $0x5E00, s2  }
0x15: {  	s26 =	sshrl.u32 @!p0 s13, $0x3;
	s2 =	sadd.s32 $0xAE00, s2;
	[dreg:$0x4] =	wrdreg s12  }
0x16: {  	s13 =	simm.s32 $0x2800;
	s20 =	simm.s32 $0xA00;
	[dreg:$0x5] =	wrdreg s2  }
0x17: {  	s10 =	simm.s32 $0x2;
	s12 =	simm.s32 $0x500;
	s0 =	rddreg [dreg:$0x4]  }
0x18: {  	[tilespmem:s6], [sflag:$0x1] =	stream.linear.gather [hbm4b:s0+s6], $0x1400, $0x38;
	[tilespmem:$0x1B800] =	vst v63  }
0x19: {  	s28 =	rddreg [dreg:$0x5]  }
0x1a: {  	[tilespmem:s11], [sflag:$0x1] =	stream.linear.gather [hbm4b:s28+s6], $0x1400, $0x38;
	[tilespmem:$0x1B800] =	vst v63  }
0x1b: {  	[spmem:s25], [sflag:s21] =	dma.local [hbm:s23], $0x4E0  }
0x1c: {  	[spmem:s8], [sflag:s21] =	dma.local [hbm:s23], $0x4E0  }
0x1d: {  	[spmem:s26], [sflag:s21] =	dma.local @!p0 [hbm:s24], $0x20  }
0x1e: {  	[spmem:s7], [sflag:s21] =	dma.local @!p0 [hbm:s24], $0x20  }
0x1f: {  	_ =	swait.ge [sflag:s9], $0x1400  }
0x20: {  	[sflag:s9] =	ssyncset.done $0x0  }
0x21: {  	[sflag:s9] =	ssyncadd.s32 $0xFFFFEC00  }
0x22: {  	_ =	swait.ge [sflag:s9], $0x1400  }
0x23: {  	[sflag:s9] =	ssyncset.done $0x0  }
0x24: {  	[sflag:s9] =	ssyncadd.s32 $0xFFFFEC00  }
0x25: {  	_ =	swait.ge [sflag:s9], $0x4E0  }
0x26: {  	[sflag:s9] =	ssyncset.done $0x0  }
0x27: {  	[sflag:s9] =	ssyncadd.s32 $0xFFFFFB20  }
0x28: {  	_ =	swait.ge [sflag:s9], $0x4E0  }
0x29: {  	[sflag:s9] =	ssyncset.done $0x0  }
0x2a: {  	s28 =	simm.s32 @!p0 $0x1;
	[sflag:s9] =	ssyncadd.s32 $0xFFFFFB20  }
0x2b: {  	_ =	swait.ge @!p0 [sflag:s28], $0x20  }
0x2c: {  	[sflag:s28] =	ssyncset.done @!p0 $0x0  }
0x2d: {  	[sflag:s28] =	ssyncadd.s32 @!p0 $0xFFFFFFE0  }
0x2e: {  	_ =	swait.ge @!p0 [sflag:s28], $0x20  }
0x2f: {  	[sflag:s28] =	ssyncset.done @!p0 $0x0  }
0x30: {  	[sflag:s28] =	ssyncadd.s32 @!p0 $0xFFFFFFE0  }
0x31: {  	[bflag:$0x0] =	sbarrier.arrive $0xFFFF  }
0x32: {  	[tilespmem:s13], [sflag:$0x1] =	stream.indirect.gather [spmem:s3], $0x10, s6, s12, $0xb8;
	[tilespmem:$0x1B800] =	vst v63  }
0x33: {  	_ = 	snop  }
0x34: {  	[tilespmem:s14], [sflag:$0x1] =	stream.indirect.gather [spmem:s3], $0x10, s12, s12, $0xb8;
	[tilespmem:$0x1B800] =	vst v63  }
0x35: {  	_ = 	snop  }
0x36: {  	[tilespmem:s15], [sflag:$0x1] =	stream.indirect.gather [spmem:s3], $0x10, s20, s12, $0xb8;
	[tilespmem:$0x1B800] =	vst v63  }
0x37: {  	_ = 	snop  }
0x38: {  	[tilespmem:s16], [sflag:$0x1] =	stream.indirect.gather [spmem:s3], $0x10, s22, s12, $0xb8;
	[tilespmem:$0x1B800] =	vst v63  }
0x39: {  	_ =	swait.ge [sflag:s9], $0x5000  }
0x3a: {  	[sflag:s9] =	ssyncset.done $0x0  }
0x3b: {  	[sflag:s9] =	ssyncadd.s32 $0xFFFFB000  }
0x3c: {  	_ =	swait.ge [sflag:s9], $0x5000  }
0x3d: {  	[sflag:s9] =	ssyncset.done $0x0  }
0x3e: {  	[sflag:s9] =	ssyncadd.s32 $0xFFFFB000  }
0x3f: {  	_ =	swait.ge [sflag:s9], $0x5000  }
0x40: {  	[sflag:s9] =	ssyncset.done $0x0  }
0x41: {  	[sflag:s9] =	ssyncadd.s32 $0xFFFFB000  }
0x42: {  	_ =	swait.ge [sflag:s9], $0x5000  }
0x43: {  	[sflag:s9] =	ssyncset.done $0x0  }
0x44: {  	[sflag:s9] =	ssyncadd.s32 $0xFFFFB000  }
0x45: {  	[spmem:s1] =	stream.indirect.scatter.add.f32 [tilespmem:s13], [sflag:$0x1], $0x10, s11, s12, $0xb8;
	[tilespmem:$0x1B800] =	vst v63  }
0x46: {  	_ = 	snop  }
0x47: {  	[spmem:s1] =	stream.indirect.scatter.add.f32 [tilespmem:s14], [sflag:$0x1], $0x10, s17, s12, $0xb8;
	[tilespmem:$0x1B800] =	vst v63  }
0x48: {  	_ = 	snop  }
0x49: {  	[spmem:s1] =	stream.indirect.scatter.add.f32 [tilespmem:s15], [sflag:$0x1], $0x10, s18, s12, $0xb8;
	[tilespmem:$0x1B800] =	vst v63  }
0x4a: {  	_ = 	snop  }
0x4b: {  	[spmem:s1] =	stream.indirect.scatter.add.f32 [tilespmem:s16], [sflag:$0x1], $0x10, s19, s12, $0xb8;
	[tilespmem:$0x1B800] =	vst v63  }
0x4c: {  	_ =	swait.ge [sflag:s9], $0x5000  }
0x4d: {  	[sflag:s9] =	ssyncset.done $0x0  }
0x4e: {  	[sflag:s9] =	ssyncadd.s32 $0xFFFFB000  }
0x4f: {  	_ =	swait.ge [sflag:s9], $0x5000  }
0x50: {  	[sflag:s9] =	ssyncset.done $0x0  }
0x51: {  	[sflag:s9] =	ssyncadd.s32 $0xFFFFB000  }
0x52: {  	_ =	swait.ge [sflag:s9], $0x5000  }
0x53: {  	[sflag:s9] =	ssyncset.done $0x0  }
0x54: {  	[sflag:s9] =	ssyncadd.s32 $0xFFFFB000  }
0x55: {  	_ =	swait.ge [sflag:s9], $0x5000  }
0x56: {  	[sflag:s9] =	ssyncset.done $0x0  }
0x57: {  	[sflag:s9] =	ssyncadd.s32 $0xFFFFB000  }
0x58: {  	[bflag:$0x0] =	sbarrier.arrive $0xFFFF  }
0x59: {  	s31 =	sadd.s32 $0xFFFFFFFF, s29;
	[dreg:$0x6] =	wrdreg s30;
	s30 =	sor.u32 $0x1C02, s30  }
0x5a: {  	[hbm:s5], [sflag:s30] =	dma.local [spmem:s8], $0x4E0  }
0x5b: {  	p2 =	sne.s32 s31, $0x0;
	_ =	swait.ge [sflag:s10], $0x4E0  }
.Ltmp1:
0x5c: {  	[sflag:s10] =	ssyncset.done $0x0;
	(pc) =	sbr.rel @!p2 .LBB2_3-.Ltmp1, $4  }
0x5d: {  	s29 =	simm.s32 @!p0 $0x2;
	[sflag:s10] =	ssyncadd.s32 $0xFFFFFB20  }
0x5e: {  	[hbm:s4], [sflag:s30] =	dma.local @!p0 [spmem:s7], $0x20  }
0x5f: {  	_ =	swait.ge @!p0 [sflag:s29], $0x20  }
0x60: {  	p1 =	por $0x1, $0x1;
	s0 =	rddreg [dreg:$0x4];
	[sflag:s29] =	ssyncset.done @!p0 $0x0  }
.LBB2_4:
0x61: {  	[sflag:s29] =	ssyncadd.s32 @!p0 $0xFFFFFFE0  }
0x62: {  	[tilespmem:s6], [sflag:$0x1] =	stream.linear.gather [hbm4b:s0+s6], $0x1400, $0x38;
	[tilespmem:$0x1B800] =	vst v63  }
0x63: {  	s2 =	rddreg [dreg:$0x5]  }
0x64: {  	[tilespmem:s11], [sflag:$0x1] =	stream.linear.gather [hbm4b:s2+s6], $0x1400, $0x38;
	[tilespmem:$0x1B800] =	vst v63  }
0x65: {  	[spmem:s25], [sflag:s21] =	dma.local [hbm:s23], $0x4E0  }
0x66: {  	[spmem:s8], [sflag:s21] =	dma.local [hbm:s23], $0x4E0  }
0x67: {  	[spmem:s26], [sflag:s21] =	dma.local @!p0 [hbm:s24], $0x20  }
0x68: {  	[spmem:s7], [sflag:s21] =	dma.local @!p0 [hbm:s24], $0x20  }
0x69: {  	_ =	swait.ge [sflag:s9], $0x1400  }
0x6a: {  	[sflag:s9] =	ssyncset.done $0x0  }
0x6b: {  	[sflag:s9] =	ssyncadd.s32 $0xFFFFEC00  }
0x6c: {  	_ =	swait.ge [sflag:s9], $0x1400  }
0x6d: {  	[sflag:s9] =	ssyncset.done $0x0  }
0x6e: {  	[sflag:s9] =	ssyncadd.s32 $0xFFFFEC00  }
0x6f: {  	_ =	swait.ge [sflag:s9], $0x4E0  }
0x70: {  	[sflag:s9] =	ssyncset.done $0x0  }
0x71: {  	[sflag:s9] =	ssyncadd.s32 $0xFFFFFB20  }
0x72: {  	_ =	swait.ge [sflag:s9], $0x4E0  }
0x73: {  	[sflag:s9] =	ssyncset.done $0x0  }
0x74: {  	[sflag:s9] =	ssyncadd.s32 $0xFFFFFB20  }
0x75: {  	_ =	swait.ge @!p0 [sflag:s28], $0x20  }
0x76: {  	[sflag:s28] =	ssyncset.done @!p0 $0x0  }
0x77: {  	[sflag:s28] =	ssyncadd.s32 @!p0 $0xFFFFFFE0  }
0x78: {  	_ =	swait.ge @!p0 [sflag:s28], $0x20  }
0x79: {  	[sflag:s28] =	ssyncset.done @!p0 $0x0  }
0x7a: {  	[sflag:s28] =	ssyncadd.s32 @!p0 $0xFFFFFFE0  }
0x7b: {  	[bflag:$0x0] =	sbarrier.arrive $0xFFFF  }
0x7c: {  	[tilespmem:s13], [sflag:$0x1] =	stream.indirect.gather [spmem:s3], $0x10, s6, s12, $0xb8;
	[tilespmem:$0x1B800] =	vst v63  }
0x7d: {  	_ = 	snop  }
0x7e: {  	[tilespmem:s14], [sflag:$0x1] =	stream.indirect.gather [spmem:s3], $0x10, s12, s12, $0xb8;
	[tilespmem:$0x1B800] =	vst v63  }
0x7f: {  	_ = 	snop  }
0x80: {  	[tilespmem:s15], [sflag:$0x1] =	stream.indirect.gather [spmem:s3], $0x10, s20, s12, $0xb8;
	[tilespmem:$0x1B800] =	vst v63  }
0x81: {  	_ = 	snop  }
0x82: {  	[tilespmem:s16], [sflag:$0x1] =	stream.indirect.gather [spmem:s3], $0x10, s22, s12, $0xb8;
	[tilespmem:$0x1B800] =	vst v63  }
0x83: {  	_ =	swait.ge [sflag:s9], $0x5000  }
0x84: {  	[sflag:s9] =	ssyncset.done $0x0  }
0x85: {  	[sflag:s9] =	ssyncadd.s32 $0xFFFFB000  }
0x86: {  	_ =	swait.ge [sflag:s9], $0x5000  }
0x87: {  	[sflag:s9] =	ssyncset.done $0x0  }
0x88: {  	[sflag:s9] =	ssyncadd.s32 $0xFFFFB000  }
0x89: {  	_ =	swait.ge [sflag:s9], $0x5000  }
0x8a: {  	[sflag:s9] =	ssyncset.done $0x0  }
0x8b: {  	[sflag:s9] =	ssyncadd.s32 $0xFFFFB000  }
0x8c: {  	_ =	swait.ge [sflag:s9], $0x5000  }
0x8d: {  	[sflag:s9] =	ssyncset.done $0x0  }
0x8e: {  	[sflag:s9] =	ssyncadd.s32 $0xFFFFB000  }
0x8f: {  	[spmem:s1] =	stream.indirect.scatter.add.f32 [tilespmem:s13], [sflag:$0x1], $0x10, s11, s12, $0xb8;
	[tilespmem:$0x1B800] =	vst v63  }
0x90: {  	_ = 	snop  }
0x91: {  	[spmem:s1] =	stream.indirect.scatter.add.f32 [tilespmem:s14], [sflag:$0x1], $0x10, s17, s12, $0xb8;
	[tilespmem:$0x1B800] =	vst v63  }
0x92: {  	_ = 	snop  }
0x93: {  	[spmem:s1] =	stream.indirect.scatter.add.f32 [tilespmem:s15], [sflag:$0x1], $0x10, s18, s12, $0xb8;
	[tilespmem:$0x1B800] =	vst v63  }
0x94: {  	_ = 	snop  }
0x95: {  	[spmem:s1] =	stream.indirect.scatter.add.f32 [tilespmem:s16], [sflag:$0x1], $0x10, s19, s12, $0xb8;
	[tilespmem:$0x1B800] =	vst v63  }
0x96: {  	_ =	swait.ge [sflag:s9], $0x5000  }
0x97: {  	[sflag:s9] =	ssyncset.done $0x0  }
0x98: {  	[sflag:s9] =	ssyncadd.s32 $0xFFFFB000  }
0x99: {  	_ =	swait.ge [sflag:s9], $0x5000  }
0x9a: {  	[sflag:s9] =	ssyncset.done $0x0  }
0x9b: {  	[sflag:s9] =	ssyncadd.s32 $0xFFFFB000  }
0x9c: {  	_ =	swait.ge [sflag:s9], $0x5000  }
0x9d: {  	[sflag:s9] =	ssyncset.done $0x0  }
0x9e: {  	[sflag:s9] =	ssyncadd.s32 $0xFFFFB000  }
0x9f: {  	_ =	swait.ge [sflag:s9], $0x5000  }
0xa0: {  	[sflag:s9] =	ssyncset.done $0x0  }
0xa1: {  	[sflag:s9] =	ssyncadd.s32 $0xFFFFB000  }
0xa2: {  	s31 =	sadd.s32 $0xFFFFFFFF, s31;
	[bflag:$0x0] =	sbarrier.arrive $0xFFFF  }
0xa3: {  	[hbm:s5], [sflag:s30] =	dma.local [spmem:s8], $0x4E0  }
0xa4: {  	p2 =	sne.s32 s31, $0x0;
	_ =	swait.ge [sflag:s10], $0x4E0  }
.Ltmp2:
0xa5: {  	[sflag:s10] =	ssyncset.done $0x0;
	(pc) =	sbr.rel @p2 .LBB2_4-.Ltmp2, $4  }
0xa6: {  	[sflag:s10] =	ssyncadd.s32 $0xFFFFFB20  }
0xa7: {  	[hbm:s4], [sflag:s30] =	dma.local @!p0 [spmem:s7], $0x20  }
0xa8: {  	_ =	swait.ge @!p0 [sflag:s29], $0x20  }
0xa9: {  	s0 =	rddreg [dreg:$0x4];
	[sflag:s29] =	ssyncset.done @!p0 $0x0  }
0xaa: {  	s28 =	rddreg [dreg:$0x3]  }
0xab: {  	s30 =	rddreg [dreg:$0x6]  }
.LBB2_6:
0xac: {  	p1 =	por p0, !p1  }
0xad: {  	[sflag:s29] =	ssyncadd.s32 @!p1 $0xFFFFFFE0  }
0xae: {  	[tilespmem:s6], [sflag:$0x1] =	stream.linear.gather [hbm4b:s0+s6], $0x1400, $0x38;
	[tilespmem:$0x1B800] =	vst v63  }
0xaf: {  	s2 =	rddreg [dreg:$0x5]  }
0xb0: {  	[tilespmem:s11], [sflag:$0x1] =	stream.linear.gather [hbm4b:s2+s6], $0x1400, $0x38;
	[tilespmem:$0x1B800] =	vst v63  }
0xb1: {  	[spmem:s25], [sflag:s21] =	dma.local [hbm:s23], $0x4E0  }
0xb2: {  	[spmem:s8], [sflag:s21] =	dma.local [hbm:s23], $0x4E0  }
0xb3: {  	[spmem:s26], [sflag:s21] =	dma.local @!p0 [hbm:s24], $0x20  }
0xb4: {  	[spmem:s7], [sflag:s21] =	dma.local @!p0 [hbm:s24], $0x20  }
0xb5: {  	_ =	swait.ge [sflag:s9], $0x1400  }
0xb6: {  	[sflag:s9] =	ssyncset.done $0x0  }
0xb7: {  	[sflag:s9] =	ssyncadd.s32 $0xFFFFEC00  }
0xb8: {  	_ =	swait.ge [sflag:s9], $0x1400  }
0xb9: {  	[sflag:s9] =	ssyncset.done $0x0  }
0xba: {  	[sflag:s9] =	ssyncadd.s32 $0xFFFFEC00  }
0xbb: {  	_ =	swait.ge [sflag:s9], $0x4E0  }
0xbc: {  	[sflag:s9] =	ssyncset.done $0x0  }
0xbd: {  	[sflag:s9] =	ssyncadd.s32 $0xFFFFFB20  }
0xbe: {  	_ =	swait.ge [sflag:s9], $0x4E0  }
0xbf: {  	[sflag:s9] =	ssyncset.done $0x0  }
0xc0: {  	s0 =	simm.s32 @!p0 $0x1;
	[sflag:s9] =	ssyncadd.s32 $0xFFFFFB20  }
0xc1: {  	_ =	swait.ge @!p0 [sflag:s0], $0x20  }
0xc2: {  	[sflag:s0] =	ssyncset.done @!p0 $0x0  }
0xc3: {  	[sflag:s0] =	ssyncadd.s32 @!p0 $0xFFFFFFE0  }
0xc4: {  	_ =	swait.ge @!p0 [sflag:s0], $0x20  }
0xc5: {  	[sflag:s0] =	ssyncset.done @!p0 $0x0  }
0xc6: {  	[sflag:s0] =	ssyncadd.s32 @!p0 $0xFFFFFFE0  }
0xc7: {  	[bflag:$0x0] =	sbarrier.arrive $0xFFFF  }
0xc8: {  	[tilespmem:s13], [sflag:$0x1] =	stream.indirect.gather [spmem:s3], $0x10, s6, s12, $0xb8;
	[tilespmem:$0x1B800] =	vst v63  }
0xc9: {  	_ = 	snop  }
0xca: {  	[tilespmem:s14], [sflag:$0x1] =	stream.indirect.gather [spmem:s3], $0x10, s12, s12, $0xb8;
	[tilespmem:$0x1B800] =	vst v63  }
0xcb: {  	_ = 	snop  }
0xcc: {  	[tilespmem:s15], [sflag:$0x1] =	stream.indirect.gather [spmem:s3], $0x10, s20, s12, $0xb8;
	[tilespmem:$0x1B800] =	vst v63  }
0xcd: {  	_ = 	snop  }
0xce: {  	[tilespmem:s16], [sflag:$0x1] =	stream.indirect.gather [spmem:s3], $0x10, s22, s12, $0xb8;
	[tilespmem:$0x1B800] =	vst v63  }
0xcf: {  	_ =	swait.ge [sflag:s9], $0x5000  }
0xd0: {  	[sflag:s9] =	ssyncset.done $0x0  }
0xd1: {  	[sflag:s9] =	ssyncadd.s32 $0xFFFFB000  }
0xd2: {  	_ =	swait.ge [sflag:s9], $0x5000  }
0xd3: {  	[sflag:s9] =	ssyncset.done $0x0  }
0xd4: {  	[sflag:s9] =	ssyncadd.s32 $0xFFFFB000  }
0xd5: {  	_ =	swait.ge [sflag:s9], $0x5000  }
0xd6: {  	[sflag:s9] =	ssyncset.done $0x0  }
0xd7: {  	[sflag:s9] =	ssyncadd.s32 $0xFFFFB000  }
0xd8: {  	_ =	swait.ge [sflag:s9], $0x5000  }
0xd9: {  	[sflag:s9] =	ssyncset.done $0x0  }
0xda: {  	[sflag:s9] =	ssyncadd.s32 $0xFFFFB000  }
0xdb: {  	[spmem:s1] =	stream.indirect.scatter.add.f32 [tilespmem:s13], [sflag:$0x1], $0x10, s11, s12, $0xb8;
	[tilespmem:$0x1B800] =	vst v63  }
0xdc: {  	_ = 	snop  }
0xdd: {  	[spmem:s1] =	stream.indirect.scatter.add.f32 [tilespmem:s14], [sflag:$0x1], $0x10, s17, s12, $0xb8;
	[tilespmem:$0x1B800] =	vst v63  }
0xde: {  	_ = 	snop  }
0xdf: {  	[spmem:s1] =	stream.indirect.scatter.add.f32 [tilespmem:s15], [sflag:$0x1], $0x10, s18, s12, $0xb8;
	[tilespmem:$0x1B800] =	vst v63  }
0xe0: {  	_ = 	snop  }
0xe1: {  	[spmem:s1] =	stream.indirect.scatter.add.f32 [tilespmem:s16], [sflag:$0x1], $0x10, s19, s12, $0xb8;
	[tilespmem:$0x1B800] =	vst v63  }
0xe2: {  	_ =	swait.ge [sflag:s9], $0x5000  }
0xe3: {  	[sflag:s9] =	ssyncset.done $0x0  }
0xe4: {  	[sflag:s9] =	ssyncadd.s32 $0xFFFFB000  }
0xe5: {  	_ =	swait.ge [sflag:s9], $0x5000  }
0xe6: {  	[sflag:s9] =	ssyncset.done $0x0  }
0xe7: {  	[sflag:s9] =	ssyncadd.s32 $0xFFFFB000  }
0xe8: {  	_ =	swait.ge [sflag:s9], $0x5000  }
0xe9: {  	[sflag:s9] =	ssyncset.done $0x0  }
0xea: {  	[sflag:s9] =	ssyncadd.s32 $0xFFFFB000  }
0xeb: {  	_ =	swait.ge [sflag:s9], $0x5000  }
0xec: {  	[sflag:s9] =	ssyncset.done $0x0  }
0xed: {  	[sflag:s9] =	ssyncadd.s32 $0xFFFFB000  }
0xee: {  	s0 =	sor.u32 $0x1C02, s30;
	[bflag:$0x0] =	sbarrier.arrive $0xFFFF  }
0xef: {  	[hbm:s5], [sflag:s0] =	dma.local [spmem:s8], $0x4E0  }
0xf0: {  	_ =	swait.ge [sflag:s10], $0x4E0  }
0xf1: {  	[sflag:s10] =	ssyncset.done $0x0  }
0xf2: {  	[sflag:s10] =	ssyncadd.s32 $0xFFFFFB20  }
0xf3: {  	[hbm:s4], [sflag:s0] =	dma.local @!p0 [spmem:s7], $0x20  }
0xf4: {  	s0 =	simm.s32 @!p0 $0x2  }
0xf5: {  	_ =	swait.ge @!p0 [sflag:s0], $0x20  }
0xf6: {  	[sflag:s0] =	ssyncset.done @!p0 $0x0  }
0xf7: {  	[sflag:s0] =	ssyncadd.s32 @!p0 $0xFFFFFFE0  }
0xf8: {  	_ =	sfence.sel $0x180000  }
0xf9: {  	[bflag:$0x0] =	sbarrier.arrive $0xFFFF  }
0xfa: {  	_ =	strace $0x90000047  }
0xfb: {  	s0 =	sadd.s32 @!p0 $0x100000, s28;
	[bflag:$0x2] =	sbarrier.arrive $0xFFFF  }
0xfc: {  	[sflag:s0] =	ssyncadd.tile.s32 @!p0 $0x1;
	_ =	shalt  }
.LBB2_1:
.Ltmp3:
0xfd: {  	(pc) =	sbr.rel .LBB2_6-.Ltmp3, $2  }
0xfe: {  	_ =	sdelay $0x2  }
0xff: {  	_ = 	snop  }
.LBB2_3:
.Ltmp4:
0x100: {  	(pc) =	sbr.rel .LBB2_6-.Ltmp4, $3  }
0x101: {  	_ =	sdelay $0x1  }
0x102: {  	s28 =	rddreg [dreg:$0x3]  }
0x103: {  	s30 =	rddreg [dreg:$0x6]  }
.Lfunc_end2:
_tile_overlayer_lowered:
.L_overlay_start_2:
0x104: {  	(tag) =	ssettag $0x2  }
0x105: {  	s0 =	rddreg [dreg:$0x0];
	s2 =	stileid.u32  }
0x106: {  	s1 =	rddreg [dreg:$0x1];
	p0 =	sne.s32 s2, $0x0  }
0x107: {  	s3 =	rddreg [dreg:$0x2];
	[bflag:$0x3] =	sbarrier.arrive $0xFFFF;
	s2 =	simm.s32 @!p0 $0x1C02  }
0x108: {  	[timem:s3], [sflag:s2] =	dma.local @!p0 [hbm:s0], s1  }
0x109: {  	s0 =	simm.s32 @!p0 $0x2  }
0x10a: {  	_ =	swait.ge @!p0 [sflag:s0], s1  }
0x10b: {  	s1 =	ssub.s32 @!p0 $0x0, s1;
	[sflag:s0] =	ssyncset.done @!p0 $0x0  }
0x10c: {  	[sflag:s0] =	ssyncadd.s32 @!p0 s1  }
0x10d: {  	[bflag:$0x3] =	sbarrier.arrive $0xFFFF  }
0x10e: {  	_ =	shalt  }

// kernel: kernel.9.cloned.1.call-start
scs
__scs_entry_jumppad:
0x0: {  	(pc) =	sbr.rel $0x88, $3  }
0x1: {  	(tag) =	ssettag $0x0;
	lr =	simm.s32 $0x1  }
0x2: {  	[smem:$0x3F9B] =	sst lr;
	_ =	strace $0xD0000000  }
0x3: {  	_ = 	snop  }
0x4: {  	_ = 	snop  }
0x5: {  	_ = 	snop  }
0x6: {  	_ = 	snop  }
0x7: {  	_ = 	snop  }
__scs_overlays_trampoline_lowered:
0x8: {  	[smem:$0x3FAA] =	sst s0  }
0x9: {  	[smem:$0x3FAB] =	sst s1  }
0xa: {  	[smem:$0x3FAC] =	sst s2  }
0xb: {  	[smem:$0x3FAD] =	sst s3  }
0xc: {  	[smem:$0x3FAE] =	sst s4  }
0xd: {  	[smem:$0x3FAF] =	sst s5  }
0xe: {  	[smem:$0x3FB0] =	sst s6  }
0xf: {  	[smem:$0x3FB1] =	sst s7  }
0x10: {  	[smem:$0x3FB2] =	sst s8  }
0x11: {  	[smem:$0x3FB3] =	sst s9;
	s0 =	simm.s32 @!p0 $0x0  }
0x12: {  	s1 =	sld [smem:$0x3F99];
	s0 =	simm.s32 @p0 $0x1  }
0x13: {  	[smem:$0x3FB4] =	sst s0;
	s0 =	simm.s32 @!p1 $0x0  }
0x14: {  	s2 =	sld [smem:$0x3F98];
	s0 =	simm.s32 @p1 $0x1  }
0x15: {  	[smem:$0x3FB5] =	sst s0;
	s0 =	simm.s32 @!p2 $0x0  }
0x16: {  	s3 =	sld [smem:$0x3FDB];
	s0 =	simm.s32 @p2 $0x1  }
0x17: {  	s4 =	simm.s32 $0x1BF5;
	[smem:$0x3FB7] =	sst s0  }
0x18: {  	s0 =	sld [smem:$0x3F9A];
	_ =	swait.ge [sflag:s4], $0x0  }
0x19: {  	s7 =	sld [smem:$0x3F9B]  }
0x1a: {  	s8 =	sadd.s32 $0xFFFFE003, lr  }
0x1b: {  	s9 =	sadd.s32 $0xFFFFFEF7, lr;
	s5 =	simm.s32 $0xFFFFFFFF;
	p2 =	slt.u32 s8, $0xFFFFF086  }
0x1c: {  	p1 =	slt.u32 s9, $0xF7A;
	s5 =	simm.s32 @!p2 $0x0  }
0x1d: {  	s5 =	simm.s32 @p1 $0x1;
	p0 =	seq.s32 s7, s2  }
0x1e: {  	s7 =	smul.u32 @!p0 $0xF7A, s2;
	p2 =	seq.s32 @!p0 s5, $0x0  }
0x1f: {  	s9 =	smul.u32 $0xF7A, s1;
	s8 =	simm.s32 @!p0 $0x1BF5;
	p2 =	por !p2, p0  }
0x20: {  	[sflag:s8] =	ssyncset.s32 @!p0 $0xFFFFF086;
	s6 =	sadd.s32 @!p0 s3, s7;
	s7 =	simm.s32 @!p0 $0x108  }
0x21: {  	s3 =	sadd.s32 s3, s9;
	s6 =	sadd.s32 @!p0 $0x88, s6;
	s7 =	simm.s32 @p2 $0x1082  }
0x22: {  	[simem:s7], [sflag:s8] =	dma.local @!p0 [hbm:s6], $0xF7A  }
0x23: {  	s9 =	sor.u32 $0xD0000000, s2;
	s6 =	simm.s32 $0x108;
	_ =	swait.ge @!p0 [sflag:s8], $0x0  }
0x24: {  	s3 =	sadd.s32 $0x88, s3;
	s6 =	simm.s32 @!p1 $0x1082;
	[sflag:s4] =	ssyncset.s32 $0xFFFFF086  }
0x25: {  	[simem:s6], [sflag:s4] =	dma.local [hbm:s3], $0xF7A  }
0x26: {  	[smem:$0x3F9B] =	sst s1;
	(tag) =	ssettag s2;
	_ =	strace s9  }
0x27: {  	s1 =	sld [smem:$0x3FAB]  }
0x28: {  	s2 =	sld [smem:$0x3FAC]  }
0x29: {  	s4 =	sld [smem:$0x3FAE]  }
0x2a: {  	p0 =	seq.s32 s5, $0x0;
	s5 =	sld [smem:$0x3FAF]  }
0x2b: {  	s6 =	sld [smem:$0x3FB0]  }
0x2c: {  	s7 =	sld [smem:$0x3FB1]  }
0x2d: {  	s3 =	simm.s32 $0x108;
	s8 =	sld [smem:$0x3FB2]  }
0x2e: {  	s3 =	simm.s32 @!p0 $0x1082;
	s9 =	sld [smem:$0x3FB3]  }
0x2f: {  	lr =	sadd.s32 s0, s3;
	s0 =	sld [smem:$0x3FAA]  }
0x30: {  	s3 =	sld [smem:$0x3FAD]  }
0x31: {  	[smem:$0x3FB6] =	sst s10  }
0x32: {  	s10 =	sld [smem:$0x3FB4];
	_ =	sdelay $0x3  }
0x33: {  	p0 =	seq.s32 s10, $0x1;
	s10 =	sld [smem:$0x3FB6];
	_ =	sdelay $0x3  }
0x34: {  	[smem:$0x3FB6] =	sst s10  }
0x35: {  	s10 =	sld [smem:$0x3FB5];
	_ =	sdelay $0x3  }
0x36: {  	p1 =	seq.s32 s10, $0x1;
	s10 =	sld [smem:$0x3FB6];
	_ =	sdelay $0x3  }
0x37: {  	[smem:$0x3FB6] =	sst s10  }
0x38: {  	s10 =	sld [smem:$0x3FB7]  }
0x39: {  	_ = 	snop;
	(pc) =	sbr.ind lr, $3  }
0x3a: {  	_ = 	snop  }
0x3b: {  	_ = 	snop  }
0x3c: {  	p2 =	seq.s32 s10, $0x1;
	s10 =	sld [smem:$0x3FB6]  }
0x3d: {  	_ =	shalt  }
0x3e: {  	_ =	shalt  }
0x3f: {  	_ =	shalt  }
0x40: {  	_ =	shalt  }
0x41: {  	_ =	shalt  }
0x42: {  	_ =	shalt  }
0x43: {  	_ =	shalt  }
0x44: {  	_ =	shalt  }
0x45: {  	_ =	shalt  }
0x46: {  	_ =	shalt  }
0x47: {  	_ =	shalt  }
0x48: {  	_ =	shalt  }
0x49: {  	_ =	shalt  }
0x4a: {  	_ =	shalt  }
0x4b: {  	_ =	shalt  }
0x4c: {  	_ =	shalt  }
0x4d: {  	_ =	shalt  }
0x4e: {  	_ =	shalt  }
0x4f: {  	_ =	shalt  }
0x50: {  	_ =	shalt  }
0x51: {  	_ =	shalt  }
0x52: {  	_ =	shalt  }
0x53: {  	_ =	shalt  }
0x54: {  	_ =	shalt  }
0x55: {  	_ =	shalt  }
0x56: {  	_ =	shalt  }
0x57: {  	_ =	shalt  }
0x58: {  	_ =	shalt  }
0x59: {  	_ =	shalt  }
0x5a: {  	_ =	shalt  }
0x5b: {  	_ =	shalt  }
0x5c: {  	_ =	shalt  }
0x5d: {  	_ =	shalt  }
0x5e: {  	_ =	shalt  }
0x5f: {  	_ =	shalt  }
0x60: {  	_ =	shalt  }
0x61: {  	_ =	shalt  }
0x62: {  	_ =	shalt  }
0x63: {  	_ =	shalt  }
0x64: {  	_ =	shalt  }
0x65: {  	_ =	shalt  }
0x66: {  	_ =	shalt  }
0x67: {  	_ =	shalt  }
0x68: {  	_ =	shalt  }
0x69: {  	_ =	shalt  }
0x6a: {  	_ =	shalt  }
0x6b: {  	_ =	shalt  }
0x6c: {  	_ =	shalt  }
0x6d: {  	_ =	shalt  }
0x6e: {  	_ =	shalt  }
0x6f: {  	_ =	shalt  }
0x70: {  	_ =	shalt  }
0x71: {  	_ =	shalt  }
0x72: {  	_ =	shalt  }
0x73: {  	_ =	shalt  }
0x74: {  	_ =	shalt  }
0x75: {  	_ =	shalt  }
0x76: {  	_ =	shalt  }
0x77: {  	_ =	shalt  }
0x78: {  	_ =	shalt  }
0x79: {  	_ =	shalt  }
0x7a: {  	_ =	shalt  }
0x7b: {  	_ =	shalt  }
0x7c: {  	_ =	shalt  }
0x7d: {  	_ =	shalt  }
0x7e: {  	_ =	shalt  }
0x7f: {  	_ =	shalt  }
0x80: {  	_ =	shalt  }
0x81: {  	_ =	shalt  }
0x82: {  	_ =	shalt  }
0x83: {  	_ =	shalt  }
0x84: {  	_ =	shalt  }
0x85: {  	_ =	shalt  }
0x86: {  	_ =	shalt  }
0x87: {  	_ =	shalt  }
.Lfunc_end0:
.L_simem_size_0:
called_computation.1_lowered:
.L_overlay_start_0:
0x88: {  	s2 =	sld [smem:$0x3FD9]  }
0x89: {  	s3 =	sld [smem:$0x3FFE];
	_ =	sdelay $0x1  }
0x8a: {  	s1 =	srdreg.scid  }
0x8b: {  	s0 =	sand.u32 $0x1, s1  }
0x8c: {  	s17 =	sshll.u32 s0, $0xA;
	s2 =	sadd.s32 s3, s2  }
0x8d: {  	s2 =	sadd.s32 s2, s17  }
0x8e: {  	[smem:$0x3FC2] =	sst s2  }
0x8f: {  	_ = 	snop  }
0x90: {  	s2 =	sld [smem:$0x3FC6];
	(tm) =	ssettm $0x1  }
0x91: {  	s18 =	sld [smem:$0x3FFB];
	_ =	sdelay $0x3  }
0x92: {  	_ =	strace s18  }
0x93: {  	s3 =	sld [smem:$0x3FFC];
	_ =	sdelay $0x3  }
0x94: {  	_ =	strace s3  }
0x95: {  	s3 =	sld [smem:$0x3FFD];
	_ =	sdelay $0x3  }
0x96: {  	_ =	strace s3  }
0x97: {  	_ =	strace $0x8FFFFFFF  }
0x98: {  	s19 =	sld [smem:$0x3FDB];
	_ =	sdelay $0x1  }
0x99: {  	s4 =	simm.s32 $_scs_section_size  }
0x9a: {  	s5 =	simm.s32 $_size__tile_overlayer_lowered;
	s6 =	simm.s32 $_tile_overlayer_lowered  }
0x9b: {  	s22 =	simm.s32 $0x1BFF;
	s21 =	sshll.u32 s6, $0x1;
	s3 =	sadd.s32 s4, s19  }
0x9c: {  	s7 =	simm.s32 $0x0;
	s20 =	sshll.u32 s5, $0x1;
	s5 =	sadd.s32 s21, s3  }
0x9d: {  	[timem:s7], [sflag:s22] =	dma.local [hbm:s5], s20  }
0x9e: {  	_ =	swait.ge [sflag:s22], s20  }
0x9f: {  	s4 =	ssub.s32 $0x0, s20;
	[sflag:s22] =	ssyncset.done $0x0  }
0xa0: {  	[sflag:s22] =	ssyncadd.s32 s4;
	_ =	sdelay $0x1  }
0xa1: {  	s23 =	simm.s32 $0x1B8B  }
0xa2: {  	_ =	swait.ge [sflag:s23], $0x1  }
0xa3: {  	[sflag:s23] =	ssyncset.done $0x0  }
0xa4: {  	s25 =	simm.s32 $0x1B8E;
	s24 =	sld [smem:$0x3FFE];
	[sflag:s23] =	ssyncadd.s32 $0xFFFFFFFF  }
0xa5: {  	s26 =	simm.s32 $execute0_lowered;
	[smem:$0x3FD2] =	sst s25  }
0xa6: {  	s5 =	sshll.u32 s26, $0x1;
	_ =	strace $0x80000049;
	[dreg:$0x1] =	wrdreg $0xFFFFFFFF  }
0xa7: {  	s28 =	simm.s32 $_size_execute0_lowered;
	s3 =	sadd.s32 s3, s5;
	[dreg:$0x0] =	wrdreg $0x0  }
0xa8: {  	s5 =	sshll.u32 s28, $0x1;
	[dreg:$0x2] =	wrdreg s3  }
0xa9: {  	[dreg:$0x3] =	wrdreg s5  }
0xaa: {  	[dreg:$0x4] =	wrdreg $0xC0  }
0xab: {  	_ =	task [dreg:s7], $0x5FFFF  }
0xac: {  	[dreg:$0x1] =	wrdreg $0xFFFFFFFF  }
0xad: {  	[dreg:$0x0] =	wrdreg $0x60  }
0xae: {  	[dreg:$0x2] =	wrdreg s24  }
0xaf: {  	[dreg:$0x3] =	wrdreg s2  }
0xb0: {  	[dreg:$0x4] =	wrdreg $0x168100  }
0xb1: {  	[dreg:$0x5] =	wrdreg $0x140100  }
0xb2: {  	[dreg:$0x6] =	wrdreg $0x9  }
0xb3: {  	_ =	task.clear_ibuf [dreg:s7], $0x7FFFF;
	_ =	strace $0x90000049  }
0xb4: {  	s29 =	simm.s32 $0x9;
	_ =	strace $0x8000004B  }
0xb5: {  	_ =	swait.ge [sflag:s29], $0x1  }
0xb6: {  	[sflag:s29] =	ssyncadd.s32 $0xFFFFFFFF  }
0xb7: {  	_ =	strace $0x9000004B  }
0xb8: {  	_ =	sfence  }
0xb9: {  	s30 =	sld [smem:$0x0];
	_ =	sdelay $0x2  }
0xba: {  	s31 =	sshll.u32 s1, $0xD;
	s1 =	sshrl.u32 s1, $0x2  }
0xbb: {  	s3 =	sand.u32 $0x4000, s31;
	s1 =	sadd.s32 s1, s30  }
0xbc: {  	s0 =	sor.u32 s3, s0;
	s1 =	sshll.u32 s1, $0x11  }
0xbd: {  	s0 =	sor.u32 s1, s0  }
0xbe: {  	s0 =	sadd.s32 $0x8F2B, s0  }
0xbf: {  	[sflag:s0] =	ssyncadd.remote.s32 $0x1  }
0xc0: {  	_ =	sfence.sel $0xFFFF  }
0xc1: {  	[dreg:$0x0] =	wrdreg $0xFFFFFFFF;
	(pc) =	sbr.abs _section_cstart, $3  }
0xc2: {  	[dreg:$0x1] =	wrdreg $0xFFFFFFFF  }
0xc3: {  	_ =	task.clear_ibuf [dreg:s7], $0x2FFFF;
	_ =	strace $0x9FFFFFFF  }
0xc4: {  	(tm) =	ssettm $0x7FFFFFFF  }
0xc5: {  	_ =	shalt  }
tec
execute0_lowered:
.L_overlay_start_1:
0x0: {  	(tag) =	ssettag $0x1  }
0x1: {  	s0 =	rddreg [dreg:$0x0]  }
0x2: {  	s1 =	srdreg.scid;
	s2 =	rddreg [dreg:$0x2]  }
0x3: {  	s23 =	stileid.u32;
	s4 =	rddreg [dreg:$0x3];
	s5 =	simm.s32 $0x0  }
0x4: {  	s29 =	simm.s32 $0x1;
	s30 =	simm.s32 $0x2;
	s24 =	simm.s32 $0x1E00  }
0x5: {  	s28 =	simm.s32 $0x0;
	s1 =	sand.u32 $0x1, s1;
	[smem:$0x7FF] =	sst s5  }
0x6: {  	s17 =	smul.u32 $0x2700, s23;
	s19 =	sadd.s32 $0x19C00, s0;
	s11 =	sadd.s32 $0x14C00, s0  }
0x7: {  	s12 =	sadd.s32 $0x19A20, s0;
	s13 =	sadd.s32 $0x5C00, s0;
	s18 =	sadd.s32 $0x27000, s2  }
0x8: {  	p0 =	sne.s32 s23, $0x0;
	s3 =	sshll.u32 s1, $0x4;
	_ =	strace $0x8000004A  }
0x9: {  	s7 =	ssub.s32 $0x2, s1;
	s26 =	smul.u32 $0x27100, s1;
	[dreg:$0x5] =	wrdreg s18  }
0xa: {  	s18 =	sadd.s32 $0x27000, s4;
	p1 =	sne.s32 s1, $0x0;
	s1 =	simm.s32 $0x500  }
0xb: {  	s3 =	sor.u32 s23, s3;
	s6 =	sshrl.u32 s17, $0x3;
	s25 =	sshrl.u32 s7, $0x1  }
0xc: {  	s14 =	sadd.s32 s17, s2;
	s15 =	sadd.s32 s17, s4;
	s23 =	simm.s32 $0x1400  }
0xd: {  	s3 =	smul.u32 $0x280, s3;
	s16 =	sadd.s32 s6, s0;
	s22 =	ssub.s32 s7, s25  }
0xe: {  	s17 =	sadd.s32 s17, s26;
	s25 =	simm.s32 $0xC800;
	s8 =	sadd.s32 $0xFE00, s16  }
0xf: {  	s9 =	sadd.s32 $0x14C20, s16;
	s10 =	sadd.s32 $0xE00, s16;
	s16 =	sadd.s32 $0x23A00, s16  }
.Ltmp0:
0x10: {  	s17 =	sshrl.u32 s17, $0x3;
	s22 =	smax.u32 s22, $0x1;
	(pc) =	sbr.rel .LBB2_1-.Ltmp0, $4  }
0x11: {  	s3 =	sadd.s32 s3, s0;
	s0 =	sadd.s32 $0x28800, s0;
	s20 =	sadd.s32 s19, s17  }
0x12: {  	s6 =	sadd.s32 $0x5E00, s3;
	s7 =	sadd.s32 $0xAE00, s3;
	s3 =	sshrl.u32 s26, $0x3  }
0x13: {  	s17 =	simm.s32 $0x2800;
	[dreg:$0x6] =	wrdreg s0;
	s31 =	sadd.s32 s19, s3  }
0x14: {  	s26 =	simm.s32 $0x2300;
	s19 =	simm.s32 $0x7800;
	s21 =	sadd.s32 $0x4E00, s31  }
.LBB2_6:
0x15: {  	v2 =	vld [tilespmem:s31+$0x13D00];
	_ =	sdelay $0x1  }
0x16: {  	v3 =	vld [tilespmem:s31+$0x13F00];
	_ =	sdelay $0x2  }
0x17: {  	v1 =	vadd.f32 v1, v2;
	_ =	sdelay $0x1  }
0x18: {  	v1 =	vsub.f32 v1, v3;
	_ =	sdelay $0x1  }
0x19: {  	v0 =	vadd.f32 v1, v0;
	_ =	sdelay $0x1  }
0x1a: {  	v0 =	vmax.f32 v0, $0.0e+00  }
0x1b: {  	s0 =	rddreg [dreg:$0x5];
	s3 =	simm.s32 $0x13D00;
	[tilespmem:s31+$0x13D00] =	vst v0  }
0x1c: {  	[spmem:s0] =	stream.linear.scatter [tilespmem:s3], [sflag:$0x2], $0x100, $0x38;
	[tilespmem:$0x19010] =	vst v63  }
0x1d: {  	_ =	swait.ge [sflag:s30], $0x100  }
0x1e: {  	[sflag:s30] =	ssyncset.done $0x0  }
0x1f: {  	[sflag:s30] =	ssyncadd.s32 $0xFFFFFF00  }
0x20: {  	[spmem:s18] =	stream.linear.scatter [tilespmem:s3], [sflag:$0x2], $0x100, $0x38;
	[tilespmem:$0x19010] =	vst v63  }
0x21: {  	_ =	swait.ge [sflag:s30], $0x100  }
0x22: {  	s0 =	simm.s32 @!p1 $0x0;
	[sflag:s30] =	ssyncset.done $0x0  }
0x23: {  	s3 =	simm.s32 @!p1 $0x13D00;
	s31 =	rddreg [dreg:$0x6];
	[sflag:s30] =	ssyncadd.s32 $0xFFFFFF00  }
0x24: {  	[hbm4b:s31+s0] =	stream.linear.scatter @!p1 [tilespmem:s3], [sflag:$0x2], $0x100, $0x38;
	[tilespmem:$0x19010] =	vst v63  }
0x25: {  	s0 =	simm.s32 @!p1 $0x2  }
0x26: {  	_ =	swait.ge @!p1 [sflag:s0], $0x100  }
0x27: {  	[sflag:s0] =	ssyncset.done @!p1 $0x0  }
0x28: {  	[sflag:s0] =	ssyncadd.s32 @!p1 $0xFFFFFF00  }
.LBB2_7:
0x29: {  	[bflag:$0x0] =	sbarrier.arrive $0xFFFF  }
0x2a: {  	[tilespmem:s17], [sflag:$0x1] =	stream.indirect.gather [spmem:s2], $0x10, s5, s1, $0xb8;
	[tilespmem:$0x19010] =	vst v63  }
0x2b: {  	_ = 	snop  }
0x2c: {  	[tilespmem:s19], [sflag:$0x1] =	stream.indirect.gather [spmem:s2], $0x10, s1, s1, $0xb8;
	[tilespmem:$0x19010] =	vst v63  }
0x2d: {  	_ =	swait.ge [sflag:s29], $0x5000  }
0x2e: {  	[sflag:s29] =	ssyncset.done $0x0  }
0x2f: {  	[sflag:s29] =	ssyncadd.s32 $0xFFFFB000  }
0x30: {  	_ =	swait.ge [sflag:s29], $0x5000  }
0x31: {  	[sflag:s29] =	ssyncset.done $0x0  }
0x32: {  	[sflag:s29] =	ssyncadd.s32 $0xFFFFB000  }
0x33: {  	[spmem:s4] =	stream.indirect.scatter.add.f32 [tilespmem:s17], [sflag:$0x1], $0x10, s23, s1, $0xb8;
	[tilespmem:$0x19010] =	vst v63  }
0x34: {  	s0 =	simm.s32 $0x1900  }
0x35: {  	[spmem:s4] =	stream.indirect.scatter.add.f32 [tilespmem:s19], [sflag:$0x1], $0x10, s0, s1, $0xb8;
	[tilespmem:$0x19010] =	vst v63  }
0x36: {  	_ =	swait.ge [sflag:s29], $0x5000  }
0x37: {  	[sflag:s29] =	ssyncset.done $0x0  }
0x38: {  	[sflag:s29] =	ssyncadd.s32 $0xFFFFB000  }
0x39: {  	_ =	swait.ge [sflag:s29], $0x5000  }
0x3a: {  	[sflag:s29] =	ssyncset.done $0x0  }
0x3b: {  	s31 =	simm.s32 $0xA00;
	[sflag:s29] =	ssyncadd.s32 $0xFFFFB000  }
0x3c: {  	[tilespmem:s17], [sflag:$0x1] =	stream.indirect.gather [spmem:s2], $0x10, s31, s1, $0xb8;
	[tilespmem:$0x19010] =	vst v63  }
0x3d: {  	s3 =	simm.s32 $0xF00  }
0x3e: {  	[tilespmem:s19], [sflag:$0x1] =	stream.indirect.gather [spmem:s2], $0x10, s3, s1, $0xb8;
	[tilespmem:$0x19010] =	vst v63  }
0x3f: {  	_ =	swait.ge [sflag:s29], $0x5000  }
0x40: {  	[sflag:s29] =	ssyncset.done $0x0  }
0x41: {  	[sflag:s29] =	ssyncadd.s32 $0xFFFFB000  }
0x42: {  	_ =	swait.ge [sflag:s29], $0x5000  }
0x43: {  	[sflag:s29] =	ssyncset.done $0x0  }
0x44: {  	[sflag:s29] =	ssyncadd.s32 $0xFFFFB000  }
0x45: {  	[spmem:s4] =	stream.indirect.scatter.add.f32 [tilespmem:s17], [sflag:$0x1], $0x10, s24, s1, $0xb8;
	[tilespmem:$0x19010] =	vst v63  }
0x46: {  	_ = 	snop  }
0x47: {  	[spmem:s4] =	stream.indirect.scatter.add.f32 [tilespmem:s19], [sflag:$0x1], $0x10, s26, s1, $0xb8;
	[tilespmem:$0x19010] =	vst v63  }
0x48: {  	_ =	swait.ge [sflag:s29], $0x5000  }
0x49: {  	[sflag:s29] =	ssyncset.done $0x0  }
0x4a: {  	[sflag:s29] =	ssyncadd.s32 $0xFFFFB000  }
0x4b: {  	_ =	swait.ge [sflag:s29], $0x5000  }
0x4c: {  	s31 =	stileid.u32;
	[sflag:s29] =	ssyncset.done $0x0  }
0x4d: {  	s0 =	sshll.u32 s31, $0x6;
	[sflag:s29] =	ssyncadd.s32 $0xFFFFB000  }
0x4e: {  	s0 =	sor.u32 $0x1C02, s0;
	s3 =	sshrl.u32 s15, $0x3;
	[bflag:$0x0] =	sbarrier.arrive $0xFFFF  }
0x4f: {  	[hbm:s20], [sflag:s0] =	dma.local [spmem:s3], $0x4E0  }
0x50: {  	_ =	swait.ge [sflag:s30], $0x4E0  }
0x51: {  	s28 =	sadd.s32 $0x1, s28;
	[sflag:s30] =	ssyncset.done $0x0  }
0x52: {  	p2 =	sne.s32 s28, s22;
	s3 =	sshrl.u32 @!p0 s18, $0x3;
	[sflag:s30] =	ssyncadd.s32 $0xFFFFFB20  }
0x53: {  	[hbm:s21], [sflag:s0] =	dma.local @!p0 [spmem:s3], $0x20  }
.Ltmp1:
0x54: {  	_ = 	snop;
	(pc) =	sbr.rel @!p2 .LBB2_8-.Ltmp1, $4  }
0x55: {  	s0 =	simm.s32 @!p0 $0x2  }
0x56: {  	_ =	swait.ge @!p0 [sflag:s0], $0x20  }
0x57: {  	[sflag:s0] =	ssyncset.done @!p0 $0x0  }
0x58: {  	[sflag:s0] =	ssyncadd.s32 @!p0 $0xFFFFFFE0  }
.LBB2_1:
0x59: {  	[tilespmem:s5], [sflag:$0x1] =	stream.linear.gather [hbm4b:s6+s5], $0x1400, $0x38;
	[tilespmem:$0x19010] =	vst v63  }
0x5a: {  	_ = 	snop  }
0x5b: {  	[tilespmem:s23], [sflag:$0x1] =	stream.linear.gather [hbm4b:s7+s5], $0x1400, $0x38;
	[tilespmem:$0x19010] =	vst v63  }
0x5c: {  	s0 =	rddreg [dreg:$0x1];
	s3 =	simm.s32 $0x14000  }
0x5d: {  	[tilespmem:s3], [sflag:$0x1] =	stream.linear.gather [hbm4b:s0+s5], $0x10, $0x38;
	[tilespmem:$0x19010] =	vst v63  }
0x5e: {  	_ = 	snop  }
0x5f: {  	[tilespmem:s25], [sflag:$0x1] =	stream.linear.gather [hbm4b:s8+s5], $0x2700, $0x38;
	[tilespmem:$0x19010] =	vst v63  }
0x60: {  	s3 =	simm.s32 $0xEF00  }
0x61: {  	[tilespmem:s3], [sflag:$0x1] =	stream.linear.gather [hbm4b:s9+s5], $0x2700, $0x38;
	[tilespmem:$0x19010] =	vst v63  }
0x62: {  	s3 =	simm.s32 $0x11600  }
0x63: {  	[tilespmem:s3], [sflag:$0x1] =	stream.linear.gather [hbm4b:s10+s5], $0x2700, $0x38;
	[tilespmem:$0x19010] =	vst v63  }
0x64: {  	s31 =	simm.s32 @!p0 $0x13D00;
	s0 =	simm.s32 @!p0 $0x0  }
0x65: {  	[tilespmem:s31], [sflag:$0x1] =	stream.linear.gather @!p0 [hbm4b:s11+s0], $0x100, $0x38;
	[tilespmem:$0x19010] =	vst v63  }
0x66: {  	s31 =	simm.s32 @!p0 $0x13E00  }
0x67: {  	[tilespmem:s31], [sflag:$0x1] =	stream.linear.gather @!p0 [hbm4b:s12+s0], $0x100, $0x38;
	[tilespmem:$0x19010] =	vst v63  }
0x68: {  	s31 =	simm.s32 @!p0 $0x13F00  }
0x69: {  	[tilespmem:s31], [sflag:$0x1] =	stream.linear.gather @!p0 [hbm4b:s13+s0], $0x100, $0x38;
	[tilespmem:$0x19010] =	vst v63  }
0x6a: {  	_ =	swait.ge [sflag:s29], $0x1400  }
0x6b: {  	[sflag:s29] =	ssyncset.done $0x0  }
0x6c: {  	[sflag:s29] =	ssyncadd.s32 $0xFFFFEC00  }
0x6d: {  	_ =	swait.ge [sflag:s29], $0x1400  }
0x6e: {  	[sflag:s29] =	ssyncset.done $0x0  }
0x6f: {  	[sflag:s29] =	ssyncadd.s32 $0xFFFFEC00  }
0x70: {  	_ =	swait.ge [sflag:s29], $0x10  }
0x71: {  	[sflag:s29] =	ssyncset.done $0x0  }
0x72: {  	[sflag:s29] =	ssyncadd.s32 $0xFFFFFFF0  }
0x73: {  	_ =	swait.ge [sflag:s29], $0x2700  }
0x74: {  	[sflag:s29] =	ssyncset.done $0x0  }
0x75: {  	[sflag:s29] =	ssyncadd.s32 $0xFFFFD900  }
0x76: {  	_ =	swait.ge [sflag:s29], $0x2700  }
0x77: {  	[sflag:s29] =	ssyncset.done $0x0  }
0x78: {  	[sflag:s29] =	ssyncadd.s32 $0xFFFFD900  }
0x79: {  	_ =	swait.ge [sflag:s29], $0x2700  }
0x7a: {  	[sflag:s29] =	ssyncset.done $0x0  }
0x7b: {  	[sflag:s29] =	ssyncadd.s32 $0xFFFFD900  }
0x7c: {  	s31 =	simm.s32 $0x0;
	v0 =	vld [tilespmem:$0x14000]  }
0x7d: {  	s0 =	simm.s32 $0x40;
	v1 =	vld [tilespmem:s31+$0xEF00]  }
.LBB2_2:
0x7e: {  	p2 =	sne.s32 s0, $0x9BC0;
	v2 =	vld [tilespmem:s31+$0xC800];
	_ =	sdelay $0x1  }
0x7f: {  	v3 =	vld [tilespmem:s31+$0x11600];
	_ =	sdelay $0x2  }
0x80: {  	v1 =	vadd.f32 v1, v2;
	_ =	sdelay $0x1  }
0x81: {  	v1 =	vsub.f32 v1, v3  }
.Ltmp2:
0x82: {  	(pc) =	sbr.rel @p2 .LBB2_2-.Ltmp2, $3  }
0x83: {  	v1 =	vadd.f32 v1, v0;
	_ =	sdelay $0x1  }
0x84: {  	s3 =	sshra.s32 s0, $0x2;
	v2 =	vmax.f32 v1, $0.0e+00  }
0x85: {  	s0 =	sadd.s32 $0x40, s0;
	v1 =	vld [tilespmem:s3+$0xEF00];
	[tilespmem:s31+$0xC800] =	vst v2;
	s31 =	smov.u32 s3  }
0x86: {  	v2 =	vld [tilespmem:s31+$0xC800];
	_ =	sdelay $0x1  }
0x87: {  	v3 =	vld [tilespmem:s31+$0x11600];
	_ =	sdelay $0x2  }
0x88: {  	v1 =	vadd.f32 v1, v2;
	_ =	sdelay $0x1  }
0x89: {  	v1 =	vsub.f32 v1, v3;
	_ =	sdelay $0x1  }
0x8a: {  	v0 =	vadd.f32 v1, v0;
	_ =	sdelay $0x1  }
0x8b: {  	v0 =	vmax.f32 v0, $0.0e+00  }
0x8c: {  	[tilespmem:s31+$0xC800] =	vst v0  }
0x8d: {  	[spmem:s14] =	stream.linear.scatter [tilespmem:s25], [sflag:$0x2], $0x2700, $0x38;
	[tilespmem:$0x19010] =	vst v63  }
0x8e: {  	_ =	swait.ge [sflag:s30], $0x2700  }
0x8f: {  	[sflag:s30] =	ssyncset.done $0x0  }
0x90: {  	[sflag:s30] =	ssyncadd.s32 $0xFFFFD900  }
0x91: {  	[spmem:s15] =	stream.linear.scatter [tilespmem:s25], [sflag:$0x2], $0x2700, $0x38;
	[tilespmem:$0x19010] =	vst v63  }
0x92: {  	_ =	swait.ge [sflag:s30], $0x2700  }
0x93: {  	[sflag:s30] =	ssyncset.done $0x0  }
0x94: {  	s0 =	simm.s32 @!p1 $0x0;
	s3 =	simm.s32 @!p1 $0xC800;
	[sflag:s30] =	ssyncadd.s32 $0xFFFFD900  }
0x95: {  	[hbm4b:s16+s0] =	stream.linear.scatter @!p1 [tilespmem:s3], [sflag:$0x2], $0x2700, $0x38;
	[tilespmem:$0x19010] =	vst v63  }
.Ltmp3:
0x96: {  	_ = 	snop;
	(pc) =	sbr.rel @p0 .LBB2_7-.Ltmp3, $4  }
0x97: {  	s0 =	simm.s32 @!p1 $0x2  }
0x98: {  	_ =	swait.ge @!p1 [sflag:s0], $0x2700  }
0x99: {  	[sflag:s0] =	ssyncset.done @!p1 $0x0  }
0x9a: {  	[sflag:s0] =	ssyncadd.s32 @!p1 $0xFFFFD900  }
0x9b: {  	_ =	swait.ge [sflag:s29], $0x100  }
0x9c: {  	[sflag:s29] =	ssyncset.done $0x0  }
0x9d: {  	[sflag:s29] =	ssyncadd.s32 $0xFFFFFF00  }
0x9e: {  	_ =	swait.ge [sflag:s29], $0x100  }
0x9f: {  	[sflag:s29] =	ssyncset.done $0x0  }
0xa0: {  	[sflag:s29] =	ssyncadd.s32 $0xFFFFFF00  }
0xa1: {  	_ =	swait.ge [sflag:s29], $0x100  }
0xa2: {  	[sflag:s29] =	ssyncset.done $0x0  }
0xa3: {  	[sflag:s29] =	ssyncadd.s32 $0xFFFFFF00  }
0xa4: {  	s31 =	simm.s32 $0x0;
	v0 =	vld [tilespmem:$0x14000]  }
0xa5: {  	s0 =	simm.s32 $0x40;
	v1 =	vld [tilespmem:s31+$0x13E00]  }
.LBB2_5:
0xa6: {  	p2 =	sne.s32 s0, $0x3C0;
	v2 =	vld [tilespmem:s31+$0x13D00];
	_ =	sdelay $0x1  }
0xa7: {  	v3 =	vld [tilespmem:s31+$0x13F00];
	_ =	sdelay $0x2  }
0xa8: {  	v1 =	vadd.f32 v1, v2;
	_ =	sdelay $0x1  }
0xa9: {  	v1 =	vsub.f32 v1, v3  }
.Ltmp4:
0xaa: {  	(pc) =	sbr.rel @p2 .LBB2_5-.Ltmp4, $3  }
0xab: {  	v1 =	vadd.f32 v1, v0;
	_ =	sdelay $0x1  }
0xac: {  	s3 =	sshra.s32 s0, $0x2;
	v2 =	vmax.f32 v1, $0.0e+00  }
0xad: {  	s0 =	sadd.s32 $0x40, s0;
	v1 =	vld [tilespmem:s3+$0x13E00];
	[tilespmem:s31+$0x13D00] =	vst v2;
	s31 =	smov.u32 s3  }
.Ltmp5:
0xae: {  	_ = 	snop;
	(pc) =	sbr.rel .LBB2_6-.Ltmp5, $1  }
0xaf: {  	_ =	sdelay $0x3  }
.LBB2_8:
0xb0: {  	_ =	sfence.sel $0x180000  }
0xb1: {  	[bflag:$0x0] =	sbarrier.arrive $0xFFFF  }
0xb2: {  	_ =	strace $0x9000004A  }
0xb3: {  	[bflag:$0x2] =	sbarrier.arrive $0xFFFF  }
0xb4: {  	s0 =	rddreg [dreg:$0x4]  }
0xb5: {  	s0 =	sadd.s32 @!p0 $0x100000, s0  }
0xb6: {  	[sflag:s0] =	ssyncadd.tile.s32 @!p0 $0x1;
	_ =	shalt  }
.Lfunc_end2:
_tile_overlayer_lowered:
.L_overlay_start_2:
0xb7: {  	(tag) =	ssettag $0x2  }
0xb8: {  	s0 =	rddreg [dreg:$0x0];
	s2 =	stileid.u32  }
0xb9: {  	s1 =	rddreg [dreg:$0x1];
	p0 =	sne.s32 s2, $0x0  }
0xba: {  	s3 =	rddreg [dreg:$0x2];
	[bflag:$0x3] =	sbarrier.arrive $0xFFFF;
	s2 =	simm.s32 @!p0 $0x1C02  }
0xbb: {  	[timem:s3], [sflag:s2] =	dma.local @!p0 [hbm:s0], s1  }
0xbc: {  	s0 =	simm.s32 @!p0 $0x2  }
0xbd: {  	_ =	swait.ge @!p0 [sflag:s0], s1  }
0xbe: {  	s1 =	ssub.s32 @!p0 $0x0, s1;
	[sflag:s0] =	ssyncset.done @!p0 $0x0  }
0xbf: {  	[sflag:s0] =	ssyncadd.s32 @!p0 s1  }
0xc0: {  	[bflag:$0x3] =	sbarrier.arrive $0xFFFF  }
0xc1: {  	_ =	shalt  }

</sc_bundles>
